<compile_context>
chip_gen: v7x
topology: tpu7x:2x2x1
jax: 0.10.2.dev20260603
libtpu: 0.0.44.dev20260713+nightly
codegen_flags: <defaults>
</compile_context>

<pallas_src>
import jax
import jax.numpy as jnp
from jax import lax
from jax.experimental import pallas as pl
from jax.experimental.pallas import tpu as pltpu
from jax.experimental.pallas import tpu_sc as plsc

_L = 16
_W = 128
_B = 512
_PER = _B // _L
_NREG = _PER // _L
_SOFF = 4 * _L


def _gan_loss_body(probs_hbm, tgt_hbm, rew_hbm, out_hbm,
                   tgt_vm, rew_vm, val_vm, acc_vm, pacc_vm, tot_vm,
                   shared, sem):
    s = lax.axis_index("s")
    base = s * _PER
    cp_t = pltpu.async_copy(tgt_hbm.at[pl.ds(base, _PER)], tgt_vm, sem)
    cp_r = pltpu.async_copy(rew_hbm.at[pl.ds(base, _PER)], rew_vm, sem)
    cp_t.wait()
    tvecs = [tgt_vm[pl.ds(j * _L, _L)] for j in range(_NREG)]
    copies = []
    for k in range(_PER):
        t = tvecs[k // _L][k % _L]
        c0 = pl.multiple_of(
            lax.shift_left(lax.shift_right_logical(t, 7), 7), _W)
        r0 = pl.multiple_of(base + (k & ~7), 8)
        copies.append(pltpu.async_copy(
            probs_hbm.at[pl.ds(r0, 8), pl.ds(c0, _W)],
            val_vm.at[pl.ds(k * 8, 8), :], sem))
    cp_r.wait()
    for cp in copies:
        cp.wait()
    acc = jnp.zeros((_L,), jnp.float32)
    sub = lax.bitwise_and(lax.iota(jnp.int32, _L), 7)
    for j in range(_NREG):
        rid = (j * _L + lax.iota(jnp.int32, _L)) * 8 + sub
        cid = lax.bitwise_and(tvecs[j], _W - 1)
        vals = plsc.load_gather(val_vm, [rid, cid])
        acc = acc - vals * rew_vm[pl.ds(j * _L, _L)]
    acc_vm[...] = acc
    pltpu.sync_copy(acc_vm, shared.at[_SOFF + s])
    plsc.subcore_barrier()

    @pl.when(s == 0)
    def _reduce():
        pltpu.sync_copy(shared.at[pl.ds(_SOFF, _L)], pacc_vm)
        tot = jnp.zeros((_L,), jnp.float32)
        for i in range(_L):
            tot = tot + pacc_vm[i]
        total = jnp.sum(tot)
        tot_vm[...] = lax.broadcast_in_dim(total, (_L,), ())
        pltpu.sync_copy(tot_vm, out_hbm)


@jax.jit
def _gan_loss(probs2d, targets, rewards):
    mesh = plsc.VectorSubcoreMesh(core_axis_name="c", subcore_axis_name="s",
                                  num_cores=1)
    launcher = pl.kernel(
        _gan_loss_body,
        mesh=mesh,
        out_type=jax.ShapeDtypeStruct((_L,), jnp.float32),
        compiler_params=pltpu.CompilerParams(needs_layout_passes=False),
        scratch_types=[
            pltpu.VMEM((_PER,), jnp.int32),
            pltpu.VMEM((_PER,), jnp.float32),
            pltpu.VMEM((_PER * 8, _W), jnp.float32),
            pltpu.VMEM((_L,), jnp.float32),
            pltpu.VMEM((_L, _L), jnp.float32),
            pltpu.VMEM((_L,), jnp.float32),
            pltpu.VMEM_SHARED((_SOFF + _L, _L), jnp.float32),
            pltpu.SemaphoreType.DMA,
        ],
    )
    return launcher(probs2d, targets, rewards)


def kernel(probs, targets, rewards):
    vocab = probs.shape[-1]
    probs2d = probs.reshape(-1, vocab)
    out = _gan_loss(probs2d, targets, rewards)
    return out[0]

# --- scband reference (transcript-rebuilt; emitter-appended) ---
"""Pipeline reference for scband-ganloss-51118700757739 (READ-ONLY COPY).

The authoritative reference and input builder live on the scoring server;
editing this copy changes nothing except your own understanding.
"""

import jax, jax.numpy as jnp
import numpy as np


def setup_inputs(seed: int = 0) -> dict:
    key = jax.random.key(seed)
    k1, k2, k3 = jax.random.split(key, 3)
    probs = jax.random.normal(k1, (16, 32, 100000), dtype=jnp.float32)
    targets = jax.random.randint(k2, (512,), 0, 100000, dtype=jnp.int32)
    rewards = jax.random.normal(k3, (512,), dtype=jnp.float32)
    return {"probs": probs, "targets": targets, "rewards": rewards}


def reference(probs, targets, rewards):
    vocab_size = probs.shape[-1]
    probs_flat = probs.reshape(-1, vocab_size)
    idx = targets.reshape(-1, 1)
    # one-hot scatter + masked_select picks exactly one element per row, in row order
    selected = jnp.take_along_axis(probs_flat, idx, axis=1).reshape(-1)
    loss = -jnp.dot(selected, rewards.reshape(-1))
    return loss

if __name__ == "__main__":
    import jax
    _d = setup_inputs()
    print(jax.jit(kernel)(*tuple(_d.values())))

</pallas_src>

<mosaic_0001>
#map = affine_map<(d0, d1) -> (0, 0)>
#map1 = affine_map<(d0, d1) -> (0)>
module attributes {stable_mosaic.version = 14 : i64} {
  func.func @_gan_loss_body(%arg0: i32, %arg1: i32, %arg2: memref<512x100000xf32, #tpu.memory_space<hbm>>, %arg3: memref<512xi32, #tpu.memory_space<hbm>>, %arg4: memref<512xf32, #tpu.memory_space<hbm>>, %arg5: memref<16xf32, #tpu.memory_space<hbm>>, %arg6: memref<32xi32, #tpu.memory_space<vmem>>, %arg7: memref<32xf32, #tpu.memory_space<vmem>>, %arg8: memref<256x128xf32, #tpu.memory_space<vmem>>, %arg9: memref<16xf32, #tpu.memory_space<vmem>>, %arg10: memref<16x16xf32, #tpu.memory_space<vmem>>, %arg11: memref<16xf32, #tpu.memory_space<vmem>>, %arg12: memref<80x16xf32, #tpu.memory_space<vmem_shared>>, %arg13: memref<!tpu.dma_semaphore, #tpu.memory_space<semaphore_mem>>) attributes {dimension_semantics = [#tpu.dimension_semantics<core_parallel>, #tpu.dimension_semantics<subcore_parallel>], iteration_bounds = array<i64: 1, 16>, scalar_prefetch = 0 : i64, scratch_operands = 8 : i64, tpu.core_type = #tpu.core_type<sc_vector_subcore>, window_params = [{transform_indices = #map}, {transform_indices = #map1}, {transform_indices = #map1}, {transform_indices = #map1}]} {
    %mul3A = arith.constant 32 : i32
    %mul3A_0 = arith.muli %arg1, %mul3A : i32
    %dma_start3A = tpu.memref_slice %arg3[%mul3A_0] : memref<512xi32, #tpu.memory_space<hbm>> -> memref<32xi32, #tpu.memory_space<hbm>>
    %dma_start3A_1 = tpu.memref_slice %arg3[%mul3A_0] : memref<512xi32, #tpu.memory_space<hbm>> -> memref<32xi32, #tpu.memory_space<hbm>>
    tpu.enqueue_dma source(%dma_start3A_1 : memref<32xi32, #tpu.memory_space<hbm>>) target(%arg6 : memref<32xi32, #tpu.memory_space<vmem>>) target_semaphore(%arg13 : memref<!tpu.dma_semaphore, #tpu.memory_space<semaphore_mem>>)
    %dma_start3A_2 = tpu.memref_slice %arg4[%mul3A_0] : memref<512xf32, #tpu.memory_space<hbm>> -> memref<32xf32, #tpu.memory_space<hbm>>
    %dma_start3A_3 = tpu.memref_slice %arg4[%mul3A_0] : memref<512xf32, #tpu.memory_space<hbm>> -> memref<32xf32, #tpu.memory_space<hbm>>
    tpu.enqueue_dma source(%dma_start3A_3 : memref<32xf32, #tpu.memory_space<hbm>>) target(%arg7 : memref<32xf32, #tpu.memory_space<vmem>>) target_semaphore(%arg13 : memref<!tpu.dma_semaphore, #tpu.memory_space<semaphore_mem>>)
    %dma_wait3A = tpu.memref_slice %arg3[%mul3A_0] : memref<512xi32, #tpu.memory_space<hbm>> -> memref<32xi32, #tpu.memory_space<hbm>>
    %dma_wait3A_4 = tpu.memref_slice %arg3[%mul3A_0] : memref<512xi32, #tpu.memory_space<hbm>> -> memref<32xi32, #tpu.memory_space<hbm>>
    tpu.wait_dma2 semaphore(%arg13 : memref<!tpu.dma_semaphore, #tpu.memory_space<semaphore_mem>>) src(%dma_wait3A_4 : memref<32xi32, #tpu.memory_space<hbm>>) dst(%arg6 : memref<32xi32, #tpu.memory_space<vmem>>)
    %get3A = arith.constant 0 : index
    %get3A_5 = tpu.vector_load %arg6[%get3A] {strides = array<i32>} : memref<32xi32, #tpu.memory_space<vmem>>, vector<16xi32>,
    %get3A_6 = arith.constant 16 : index
    %get3A_7 = tpu.vector_load %arg6[%get3A_6] {strides = array<i32>} : memref<32xi32, #tpu.memory_space<vmem>>, vector<16xi32>,
    %slice3A = vector.extract_strided_slice %get3A_5 {offsets = [0], sizes = [1], strides = [1]} : vector<16xi32> to vector<1xi32>
    %squeeze3A = vector.extract %slice3A[0] : i32 from vector<1xi32>
    %shift_right_logical3A = arith.constant 7 : i32
    %shift_right_logical3A_8 = arith.shrui %squeeze3A, %shift_right_logical3A : i32
    %shift_left3A = arith.constant 7 : i32
    %shift_left3A_9 = arith.shli %shift_right_logical3A_8, %shift_left3A : i32
    %multiple_of3A = tpu.assume_multiple %shift_left3A_9, 128 : i32
    %add3A = arith.constant 0 : i32
    %add3A_10 = arith.addi %mul3A_0, %add3A : i32
    %multiple_of3A_11 = tpu.assume_multiple %add3A_10, 8 : i32
    %dma_start3A_12 = arith.constant 0 : i32
    %dma_start3A_13 = arith.constant 0 : i32
    %dma_start3A_14 = tpu.memref_slice %arg8[%dma_start3A_12, %dma_start3A_13] : memref<256x128xf32, #tpu.memory_space<vmem>> -> memref<8x128xf32, #tpu.memory_space<vmem>>
    %dma_start3A_15 = tpu.memref_slice %arg2[%multiple_of3A_11, %multiple_of3A] : memref<512x100000xf32, #tpu.memory_space<hbm>> -> memref<8x128xf32, #tpu.memory_space<hbm>>
    %dma_start3A_16 = arith.constant 0 : i32
    %dma_start3A_17 = arith.constant 0 : i32
    %dma_start3A_18 = tpu.memref_slice %arg8[%dma_start3A_16, %dma_start3A_17] : memref<256x128xf32, #tpu.memory_space<vmem>> -> memref<8x128xf32, #tpu.memory_space<vmem>>
    %dma_start3A_19 = tpu.memref_slice %arg2[%multiple_of3A_11, %multiple_of3A] : memref<512x100000xf32, #tpu.memory_space<hbm>> -> memref<8x128xf32, #tpu.memory_space<hbm>>
    tpu.enqueue_dma source(%dma_start3A_19 : memref<8x128xf32, #tpu.memory_space<hbm>>) target(%dma_start3A_18 : memref<8x128xf32, #tpu.memory_space<vmem>>) target_semaphore(%arg13 : memref<!tpu.dma_semaphore, #tpu.memory_space<semaphore_mem>>)
    %slice3A_20 = vector.extract_strided_slice %get3A_5 {offsets = [1], sizes = [1], strides = [1]} : vector<16xi32> to vector<1xi32>
    %squeeze3A_21 = vector.extract %slice3A_20[0] : i32 from vector<1xi32>
    %shift_right_logical3A_22 = arith.constant 7 : i32
    %shift_right_logical3A_23 = arith.shrui %squeeze3A_21, %shift_right_logical3A_22 : i32
    %shift_left3A_24 = arith.constant 7 : i32
    %shift_left3A_25 = arith.shli %shift_right_logical3A_23, %shift_left3A_24 : i32
    %multiple_of3A_26 = tpu.assume_multiple %shift_left3A_25, 128 : i32
    %add3A_27 = arith.constant 0 : i32
    %add3A_28 = arith.addi %mul3A_0, %add3A_27 : i32
    %multiple_of3A_29 = tpu.assume_multiple %add3A_28, 8 : i32
    %dma_start3A_30 = arith.constant 8 : i32
    %dma_start3A_31 = arith.constant 0 : i32
    %dma_start3A_32 = tpu.memref_slice %arg8[%dma_start3A_30, %dma_start3A_31] : memref<256x128xf32, #tpu.memory_space<vmem>> -> memref<8x128xf32, #tpu.memory_space<vmem>>
    %dma_start3A_33 = tpu.memref_slice %arg2[%multiple_of3A_29, %multiple_of3A_26] : memref<512x100000xf32, #tpu.memory_space<hbm>> -> memref<8x128xf32, #tpu.memory_space<hbm>>
    %dma_start3A_34 = arith.constant 8 : i32
    %dma_start3A_35 = arith.constant 0 : i32
    %dma_start3A_36 = tpu.memref_slice %arg8[%dma_start3A_34, %dma_start3A_35] : memref<256x128xf32, #tpu.memory_space<vmem>> -> memref<8x128xf32, #tpu.memory_space<vmem>>
    %dma_start3A_37 = tpu.memref_slice %arg2[%multiple_of3A_29, %multiple_of3A_26] : memref<512x100000xf32, #tpu.memory_space<hbm>> -> memref<8x128xf32, #tpu.memory_space<hbm>>
    tpu.enqueue_dma source(%dma_start3A_37 : memref<8x128xf32, #tpu.memory_space<hbm>>) target(%dma_start3A_36 : memref<8x128xf32, #tpu.memory_space<vmem>>) target_semaphore(%arg13 : memref<!tpu.dma_semaphore, #tpu.memory_space<semaphore_mem>>)
    %slice3A_38 = vector.extract_strided_slice %get3A_5 {offsets = [2], sizes = [1], strides = [1]} : vector<16xi32> to vector<1xi32>
    %squeeze3A_39 = vector.extract %slice3A_38[0] : i32 from vector<1xi32>
    %shift_right_logical3A_40 = arith.constant 7 : i32
    %shift_right_logical3A_41 = arith.shrui %squeeze3A_39, %shift_right_logical3A_40 : i32
    %shift_left3A_42 = arith.constant 7 : i32
    %shift_left3A_43 = arith.shli %shift_right_logical3A_41, %shift_left3A_42 : i32
    %multiple_of3A_44 = tpu.assume_multiple %shift_left3A_43, 128 : i32
    %add3A_45 = arith.constant 0 : i32
    %add3A_46 = arith.addi %mul3A_0, %add3A_45 : i32
    %multiple_of3A_47 = tpu.assume_multiple %add3A_46, 8 : i32
    %dma_start3A_48 = arith.constant 16 : i32
    %dma_start3A_49 = arith.constant 0 : i32
    %dma_start3A_50 = tpu.memref_slice %arg8[%dma_start3A_48, %dma_start3A_49] : memref<256x128xf32, #tpu.memory_space<vmem>> -> memref<8x128xf32, #tpu.memory_space<vmem>>
    %dma_start3A_51 = tpu.memref_slice %arg2[%multiple_of3A_47, %multiple_of3A_44] : memref<512x100000xf32, #tpu.memory_space<hbm>> -> memref<8x128xf32, #tpu.memory_space<hbm>>
    %dma_start3A_52 = arith.constant 16 : i32
    %dma_start3A_53 = arith.constant 0 : i32
    %dma_start3A_54 = tpu.memref_slice %arg8[%dma_start3A_52, %dma_start3A_53] : memref<256x128xf32, #tpu.memory_space<vmem>> -> memref<8x128xf32, #tpu.memory_space<vmem>>
    %dma_start3A_55 = tpu.memref_slice %arg2[%multiple_of3A_47, %multiple_of3A_44] : memref<512x100000xf32, #tpu.memory_space<hbm>> -> memref<8x128xf32, #tpu.memory_space<hbm>>
    tpu.enqueue_dma source(%dma_start3A_55 : memref<8x128xf32, #tpu.memory_space<hbm>>) target(%dma_start3A_54 : memref<8x128xf32, #tpu.memory_space<vmem>>) target_semaphore(%arg13 : memref<!tpu.dma_semaphore, #tpu.memory_space<semaphore_mem>>)
    %slice3A_56 = vector.extract_strided_slice %get3A_5 {offsets = [3], sizes = [1], strides = [1]} : vector<16xi32> to vector<1xi32>
    %squeeze3A_57 = vector.extract %slice3A_56[0] : i32 from vector<1xi32>
    %shift_right_logical3A_58 = arith.constant 7 : i32
    %shift_right_logical3A_59 = arith.shrui %squeeze3A_57, %shift_right_logical3A_58 : i32
    %shift_left3A_60 = arith.constant 7 : i32
    %shift_left3A_61 = arith.shli %shift_right_logical3A_59, %shift_left3A_60 : i32
    %multiple_of3A_62 = tpu.assume_multiple %shift_left3A_61, 128 : i32
    %add3A_63 = arith.constant 0 : i32
    %add3A_64 = arith.addi %mul3A_0, %add3A_63 : i32
    %multiple_of3A_65 = tpu.assume_multiple %add3A_64, 8 : i32
    %dma_start3A_66 = arith.constant 24 : i32
    %dma_start3A_67 = arith.constant 0 : i32
    %dma_start3A_68 = tpu.memref_slice %arg8[%dma_start3A_66, %dma_start3A_67] : memref<256x128xf32, #tpu.memory_space<vmem>> -> memref<8x128xf32, #tpu.memory_space<vmem>>
    %dma_start3A_69 = tpu.memref_slice %arg2[%multiple_of3A_65, %multiple_of3A_62] : memref<512x100000xf32, #tpu.memory_space<hbm>> -> memref<8x128xf32, #tpu.memory_space<hbm>>
    %dma_start3A_70 = arith.constant 24 : i32
    %dma_start3A_71 = arith.constant 0 : i32
    %dma_start3A_72 = tpu.memref_slice %arg8[%dma_start3A_70, %dma_start3A_71] : memref<256x128xf32, #tpu.memory_space<vmem>> -> memref<8x128xf32, #tpu.memory_space<vmem>>
    %dma_start3A_73 = tpu.memref_slice %arg2[%multiple_of3A_65, %multiple_of3A_62] : memref<512x100000xf32, #tpu.memory_space<hbm>> -> memref<8x128xf32, #tpu.memory_space<hbm>>
    tpu.enqueue_dma source(%dma_start3A_73 : memref<8x128xf32, #tpu.memory_space<hbm>>) target(%dma_start3A_72 : memref<8x128xf32, #tpu.memory_space<vmem>>) target_semaphore(%arg13 : memref<!tpu.dma_semaphore, #tpu.memory_space<semaphore_mem>>)
    %slice3A_74 = vector.extract_strided_slice %get3A_5 {offsets = [4], sizes = [1], strides = [1]} : vector<16xi32> to vector<1xi32>
    %squeeze3A_75 = vector.extract %slice3A_74[0] : i32 from vector<1xi32>
    %shift_right_logical3A_76 = arith.constant 7 : i32
    %shift_right_logical3A_77 = arith.shrui %squeeze3A_75, %shift_right_logical3A_76 : i32
    %shift_left3A_78 = arith.constant 7 : i32
    %shift_left3A_79 = arith.shli %shift_right_logical3A_77, %shift_left3A_78 : i32
    %multiple_of3A_80 = tpu.assume_multiple %shift_left3A_79, 128 : i32
    %add3A_81 = arith.constant 0 : i32
    %add3A_82 = arith.addi %mul3A_0, %add3A_81 : i32
    %multiple_of3A_83 = tpu.assume_multiple %add3A_82, 8 : i32
    %dma_start3A_84 = arith.constant 32 : i32
    %dma_start3A_85 = arith.constant 0 : i32
    %dma_start3A_86 = tpu.memref_slice %arg8[%dma_start3A_84, %dma_start3A_85] : memref<256x128xf32, #tpu.memory_space<vmem>> -> memref<8x128xf32, #tpu.memory_space<vmem>>
    %dma_start3A_87 = tpu.memref_slice %arg2[%multiple_of3A_83, %multiple_of3A_80] : memref<512x100000xf32, #tpu.memory_space<hbm>> -> memref<8x128xf32, #tpu.memory_space<hbm>>
    %dma_start3A_88 = arith.constant 32 : i32
    %dma_start3A_89 = arith.constant 0 : i32
    %dma_start3A_90 = tpu.memref_slice %arg8[%dma_start3A_88, %dma_start3A_89] : memref<256x128xf32, #tpu.memory_space<vmem>> -> memref<8x128xf32, #tpu.memory_space<vmem>>
    %dma_start3A_91 = tpu.memref_slice %arg2[%multiple_of3A_83, %multiple_of3A_80] : memref<512x100000xf32, #tpu.memory_space<hbm>> -> memref<8x128xf32, #tpu.memory_space<hbm>>
    tpu.enqueue_dma source(%dma_start3A_91 : memref<8x128xf32, #tpu.memory_space<hbm>>) target(%dma_start3A_90 : memref<8x128xf32, #tpu.memory_space<vmem>>) target_semaphore(%arg13 : memref<!tpu.dma_semaphore, #tpu.memory_space<semaphore_mem>>)
    %slice3A_92 = vector.extract_strided_slice %get3A_5 {offsets = [5], sizes = [1], strides = [1]} : vector<16xi32> to vector<1xi32>
    %squeeze3A_93 = vector.extract %slice3A_92[0] : i32 from vector<1xi32>
    %shift_right_logical3A_94 = arith.constant 7 : i32
    %shift_right_logical3A_95 = arith.shrui %squeeze3A_93, %shift_right_logical3A_94 : i32
    %shift_left3A_96 = arith.constant 7 : i32
    %shift_left3A_97 = arith.shli %shift_right_logical3A_95, %shift_left3A_96 : i32
    %multiple_of3A_98 = tpu.assume_multiple %shift_left3A_97, 128 : i32
    %add3A_99 = arith.constant 0 : i32
    %add3A_100 = arith.addi %mul3A_0, %add3A_99 : i32
    %multiple_of3A_101 = tpu.assume_multiple %add3A_100, 8 : i32
    %dma_start3A_102 = arith.constant 40 : i32
    %dma_start3A_103 = arith.constant 0 : i32
    %dma_start3A_104 = tpu.memref_slice %arg8[%dma_start3A_102, %dma_start3A_103] : memref<256x128xf32, #tpu.memory_space<vmem>> -> memref<8x128xf32, #tpu.memory_space<vmem>>
    %dma_start3A_105 = tpu.memref_slice %arg2[%multiple_of3A_101, %multiple_of3A_98] : memref<512x100000xf32, #tpu.memory_space<hbm>> -> memref<8x128xf32, #tpu.memory_space<hbm>>
    %dma_start3A_106 = arith.constant 40 : i32
    %dma_start3A_107 = arith.constant 0 : i32
    %dma_start3A_108 = tpu.memref_slice %arg8[%dma_start3A_106, %dma_start3A_107] : memref<256x128xf32, #tpu.memory_space<vmem>> -> memref<8x128xf32, #tpu.memory_space<vmem>>
    %dma_start3A_109 = tpu.memref_slice %arg2[%multiple_of3A_101, %multiple_of3A_98] : memref<512x100000xf32, #tpu.memory_space<hbm>> -> memref<8x128xf32, #tpu.memory_space<hbm>>
    tpu.enqueue_dma source(%dma_start3A_109 : memref<8x128xf32, #tpu.memory_space<hbm>>) target(%dma_start3A_108 : memref<8x128xf32, #tpu.memory_space<vmem>>) target_semaphore(%arg13 : memref<!tpu.dma_semaphore, #tpu.memory_space<semaphore_mem>>)
    %slice3A_110 = vector.extract_strided_slice %get3A_5 {offsets = [6], sizes = [1], strides = [1]} : vector<16xi32> to vector<1xi32>
    %squeeze3A_111 = vector.extract %slice3A_110[0] : i32 from vector<1xi32>
    %shift_right_logical3A_112 = arith.constant 7 : i32
    %shift_right_logical3A_113 = arith.shrui %squeeze3A_111, %shift_right_logical3A_112 : i32
    %shift_left3A_114 = arith.constant 7 : i32
    %shift_left3A_115 = arith.shli %shift_right_logical3A_113, %shift_left3A_114 : i32
    %multiple_of3A_116 = tpu.assume_multiple %shift_left3A_115, 128 : i32
    %add3A_117 = arith.constant 0 : i32
    %add3A_118 = arith.addi %mul3A_0, %add3A_117 : i32
    %multiple_of3A_119 = tpu.assume_multiple %add3A_118, 8 : i32
    %dma_start3A_120 = arith.constant 48 : i32
    %dma_start3A_121 = arith.constant 0 : i32
    %dma_start3A_122 = tpu.memref_slice %arg8[%dma_start3A_120, %dma_start3A_121] : memref<256x128xf32, #tpu.memory_space<vmem>> -> memref<8x128xf32, #tpu.memory_space<vmem>>
    %dma_start3A_123 = tpu.memref_slice %arg2[%multiple_of3A_119, %multiple_of3A_116] : memref<512x100000xf32, #tpu.memory_space<hbm>> -> memref<8x128xf32, #tpu.memory_space<hbm>>
    %dma_start3A_124 = arith.constant 48 : i32
    %dma_start3A_125 = arith.constant 0 : i32
    %dma_start3A_126 = tpu.memref_slice %arg8[%dma_start3A_124, %dma_start3A_125] : memref<256x128xf32, #tpu.memory_space<vmem>> -> memref<8x128xf32, #tpu.memory_space<vmem>>
    %dma_start3A_127 = tpu.memref_slice %arg2[%multiple_of3A_119, %multiple_of3A_116] : memref<512x100000xf32, #tpu.memory_space<hbm>> -> memref<8x128xf32, #tpu.memory_space<hbm>>
    tpu.enqueue_dma source(%dma_start3A_127 : memref<8x128xf32, #tpu.memory_space<hbm>>) target(%dma_start3A_126 : memref<8x128xf32, #tpu.memory_space<vmem>>) target_semaphore(%arg13 : memref<!tpu.dma_semaphore, #tpu.memory_space<semaphore_mem>>)
    %slice3A_128 = vector.extract_strided_slice %get3A_5 {offsets = [7], sizes = [1], strides = [1]} : vector<16xi32> to vector<1xi32>
    %squeeze3A_129 = vector.extract %slice3A_128[0] : i32 from vector<1xi32>
    %shift_right_logical3A_130 = arith.constant 7 : i32
    %shift_right_logical3A_131 = arith.shrui %squeeze3A_129, %shift_right_logical3A_130 : i32
    %shift_left3A_132 = arith.constant 7 : i32
    %shift_left3A_133 = arith.shli %shift_right_logical3A_131, %shift_left3A_132 : i32
    %multiple_of3A_134 = tpu.assume_multiple %shift_left3A_133, 128 : i32
    %add3A_135 = arith.constant 0 : i32
    %add3A_136 = arith.addi %mul3A_0, %add3A_135 : i32
    %multiple_of3A_137 = tpu.assume_multiple %add3A_136, 8 : i32
    %dma_start3A_138 = arith.constant 56 : i32
    %dma_start3A_139 = arith.constant 0 : i32
    %dma_start3A_140 = tpu.memref_slice %arg8[%dma_start3A_138, %dma_start3A_139] : memref<256x128xf32, #tpu.memory_space<vmem>> -> memref<8x128xf32, #tpu.memory_space<vmem>>
    %dma_start3A_141 = tpu.memref_slice %arg2[%multiple_of3A_137, %multiple_of3A_134] : memref<512x100000xf32, #tpu.memory_space<hbm>> -> memref<8x128xf32, #tpu.memory_space<hbm>>
    %dma_start3A_142 = arith.constant 56 : i32
    %dma_start3A_143 = arith.constant 0 : i32
    %dma_start3A_144 = tpu.memref_slice %arg8[%dma_start3A_142, %dma_start3A_143] : memref<256x128xf32, #tpu.memory_space<vmem>> -> memref<8x128xf32, #tpu.memory_space<vmem>>
    %dma_start3A_145 = tpu.memref_slice %arg2[%multiple_of3A_137, %multiple_of3A_134] : memref<512x100000xf32, #tpu.memory_space<hbm>> -> memref<8x128xf32, #tpu.memory_space<hbm>>
    tpu.enqueue_dma source(%dma_start3A_145 : memref<8x128xf32, #tpu.memory_space<hbm>>) target(%dma_start3A_144 : memref<8x128xf32, #tpu.memory_space<vmem>>) target_semaphore(%arg13 : memref<!tpu.dma_semaphore, #tpu.memory_space<semaphore_mem>>)
    %slice3A_146 = vector.extract_strided_slice %get3A_5 {offsets = [8], sizes = [1], strides = [1]} : vector<16xi32> to vector<1xi32>
    %squeeze3A_147 = vector.extract %slice3A_146[0] : i32 from vector<1xi32>
    %shift_right_logical3A_148 = arith.constant 7 : i32
    %shift_right_logical3A_149 = arith.shrui %squeeze3A_147, %shift_right_logical3A_148 : i32
    %shift_left3A_150 = arith.constant 7 : i32
    %shift_left3A_151 = arith.shli %shift_right_logical3A_149, %shift_left3A_150 : i32
    %multiple_of3A_152 = tpu.assume_multiple %shift_left3A_151, 128 : i32
    %add3A_153 = arith.constant 8 : i32
    %add3A_154 = arith.addi %mul3A_0, %add3A_153 : i32
    %multiple_of3A_155 = tpu.assume_multiple %add3A_154, 8 : i32
    %dma_start3A_156 = arith.constant 64 : i32
    %dma_start3A_157 = arith.constant 0 : i32
    %dma_start3A_158 = tpu.memref_slice %arg8[%dma_start3A_156, %dma_start3A_157] : memref<256x128xf32, #tpu.memory_space<vmem>> -> memref<8x128xf32, #tpu.memory_space<vmem>>
    %dma_start3A_159 = tpu.memref_slice %arg2[%multiple_of3A_155, %multiple_of3A_152] : memref<512x100000xf32, #tpu.memory_space<hbm>> -> memref<8x128xf32, #tpu.memory_space<hbm>>
    %dma_start3A_160 = arith.constant 64 : i32
    %dma_start3A_161 = arith.constant 0 : i32
    %dma_start3A_162 = tpu.memref_slice %arg8[%dma_start3A_160, %dma_start3A_161] : memref<256x128xf32, #tpu.memory_space<vmem>> -> memref<8x128xf32, #tpu.memory_space<vmem>>
    %dma_start3A_163 = tpu.memref_slice %arg2[%multiple_of3A_155, %multiple_of3A_152] : memref<512x100000xf32, #tpu.memory_space<hbm>> -> memref<8x128xf32, #tpu.memory_space<hbm>>
    tpu.enqueue_dma source(%dma_start3A_163 : memref<8x128xf32, #tpu.memory_space<hbm>>) target(%dma_start3A_162 : memref<8x128xf32, #tpu.memory_space<vmem>>) target_semaphore(%arg13 : memref<!tpu.dma_semaphore, #tpu.memory_space<semaphore_mem>>)
    %slice3A_164 = vector.extract_strided_slice %get3A_5 {offsets = [9], sizes = [1], strides = [1]} : vector<16xi32> to vector<1xi32>
    %squeeze3A_165 = vector.extract %slice3A_164[0] : i32 from vector<1xi32>
    %shift_right_logical3A_166 = arith.constant 7 : i32
    %shift_right_logical3A_167 = arith.shrui %squeeze3A_165, %shift_right_logical3A_166 : i32
    %shift_left3A_168 = arith.constant 7 : i32
    %shift_left3A_169 = arith.shli %shift_right_logical3A_167, %shift_left3A_168 : i32
    %multiple_of3A_170 = tpu.assume_multiple %shift_left3A_169, 128 : i32
    %add3A_171 = arith.constant 8 : i32
    %add3A_172 = arith.addi %mul3A_0, %add3A_171 : i32
    %multiple_of3A_173 = tpu.assume_multiple %add3A_172, 8 : i32
    %dma_start3A_174 = arith.constant 72 : i32
    %dma_start3A_175 = arith.constant 0 : i32
    %dma_start3A_176 = tpu.memref_slice %arg8[%dma_start3A_174, %dma_start3A_175] : memref<256x128xf32, #tpu.memory_space<vmem>> -> memref<8x128xf32, #tpu.memory_space<vmem>>
    %dma_start3A_177 = tpu.memref_slice %arg2[%multiple_of3A_173, %multiple_of3A_170] : memref<512x100000xf32, #tpu.memory_space<hbm>> -> memref<8x128xf32, #tpu.memory_space<hbm>>
    %dma_start3A_178 = arith.constant 72 : i32
    %dma_start3A_179 = arith.constant 0 : i32
    %dma_start3A_180 = tpu.memref_slice %arg8[%dma_start3A_178, %dma_start3A_179] : memref<256x128xf32, #tpu.memory_space<vmem>> -> memref<8x128xf32, #tpu.memory_space<vmem>>
    %dma_start3A_181 = tpu.memref_slice %arg2[%multiple_of3A_173, %multiple_of3A_170] : memref<512x100000xf32, #tpu.memory_space<hbm>> -> memref<8x128xf32, #tpu.memory_space<hbm>>
    tpu.enqueue_dma source(%dma_start3A_181 : memref<8x128xf32, #tpu.memory_space<hbm>>) target(%dma_start3A_180 : memref<8x128xf32, #tpu.memory_space<vmem>>) target_semaphore(%arg13 : memref<!tpu.dma_semaphore, #tpu.memory_space<semaphore_mem>>)
    %slice3A_182 = vector.extract_strided_slice %get3A_5 {offsets = [10], sizes = [1], strides = [1]} : vector<16xi32> to vector<1xi32>
    %squeeze3A_183 = vector.extract %slice3A_182[0] : i32 from vector<1xi32>
    %shift_right_logical3A_184 = arith.constant 7 : i32
    %shift_right_logical3A_185 = arith.shrui %squeeze3A_183, %shift_right_logical3A_184 : i32
    %shift_left3A_186 = arith.constant 7 : i32
    %shift_left3A_187 = arith.shli %shift_right_logical3A_185, %shift_left3A_186 : i32
    %multiple_of3A_188 = tpu.assume_multiple %shift_left3A_187, 128 : i32
    %add3A_189 = arith.constant 8 : i32
    %add3A_190 = arith.addi %mul3A_0, %add3A_189 : i32
    %multiple_of3A_191 = tpu.assume_multiple %add3A_190, 8 : i32
    %dma_start3A_192 = arith.constant 80 : i32
    %dma_start3A_193 = arith.constant 0 : i32
    %dma_start3A_194 = tpu.memref_slice %arg8[%dma_start3A_192, %dma_start3A_193] : memref<256x128xf32, #tpu.memory_space<vmem>> -> memref<8x128xf32, #tpu.memory_space<vmem>>
    %dma_start3A_195 = tpu.memref_slice %arg2[%multiple_of3A_191, %multiple_of3A_188] : memref<512x100000xf32, #tpu.memory_space<hbm>> -> memref<8x128xf32, #tpu.memory_space<hbm>>
    %dma_start3A_196 = arith.constant 80 : i32
    %dma_start3A_197 = arith.constant 0 : i32
    %dma_start3A_198 = tpu.memref_slice %arg8[%dma_start3A_196, %dma_start3A_197] : memref<256x128xf32, #tpu.memory_space<vmem>> -> memref<8x128xf32, #tpu.memory_space<vmem>>
    %dma_start3A_199 = tpu.memref_slice %arg2[%multiple_of3A_191, %multiple_of3A_188] : memref<512x100000xf32, #tpu.memory_space<hbm>> -> memref<8x128xf32, #tpu.memory_space<hbm>>
    tpu.enqueue_dma source(%dma_start3A_199 : memref<8x128xf32, #tpu.memory_space<hbm>>) target(%dma_start3A_198 : memref<8x128xf32, #tpu.memory_space<vmem>>) target_semaphore(%arg13 : memref<!tpu.dma_semaphore, #tpu.memory_space<semaphore_mem>>)
    %slice3A_200 = vector.extract_strided_slice %get3A_5 {offsets = [11], sizes = [1], strides = [1]} : vector<16xi32> to vector<1xi32>
    %squeeze3A_201 = vector.extract %slice3A_200[0] : i32 from vector<1xi32>
    %shift_right_logical3A_202 = arith.constant 7 : i32
    %shift_right_logical3A_203 = arith.shrui %squeeze3A_201, %shift_right_logical3A_202 : i32
    %shift_left3A_204 = arith.constant 7 : i32
    %shift_left3A_205 = arith.shli %shift_right_logical3A_203, %shift_left3A_204 : i32
    %multiple_of3A_206 = tpu.assume_multiple %shift_left3A_205, 128 : i32
    %add3A_207 = arith.constant 8 : i32
    %add3A_208 = arith.addi %mul3A_0, %add3A_207 : i32
    %multiple_of3A_209 = tpu.assume_multiple %add3A_208, 8 : i32
    %dma_start3A_210 = arith.constant 88 : i32
    %dma_start3A_211 = arith.constant 0 : i32
    %dma_start3A_212 = tpu.memref_slice %arg8[%dma_start3A_210, %dma_start3A_211] : memref<256x128xf32, #tpu.memory_space<vmem>> -> memref<8x128xf32, #tpu.memory_space<vmem>>
    %dma_start3A_213 = tpu.memref_slice %arg2[%multiple_of3A_209, %multiple_of3A_206] : memref<512x100000xf32, #tpu.memory_space<hbm>> -> memref<8x128xf32, #tpu.memory_space<hbm>>
    %dma_start3A_214 = arith.constant 88 : i32
    %dma_start3A_215 = arith.constant 0 : i32
    %dma_start3A_216 = tpu.memref_slice %arg8[%dma_start3A_214, %dma_start3A_215] : memref<256x128xf32, #tpu.memory_space<vmem>> -> memref<8x128xf32, #tpu.memory_space<vmem>>
    %dma_start3A_217 = tpu.memref_slice %arg2[%multiple_of3A_209, %multiple_of3A_206] : memref<512x100000xf32, #tpu.memory_space<hbm>> -> memref<8x128xf32, #tpu.memory_space<hbm>>
    tpu.enqueue_dma source(%dma_start3A_217 : memref<8x128xf32, #tpu.memory_space<hbm>>) target(%dma_start3A_216 : memref<8x128xf32, #tpu.memory_space<vmem>>) target_semaphore(%arg13 : memref<!tpu.dma_semaphore, #tpu.memory_space<semaphore_mem>>)
    %slice3A_218 = vector.extract_strided_slice %get3A_5 {offsets = [12], sizes = [1], strides = [1]} : vector<16xi32> to vector<1xi32>
    %squeeze3A_219 = vector.extract %slice3A_218[0] : i32 from vector<1xi32>
    %shift_right_logical3A_220 = arith.constant 7 : i32
    %shift_right_logical3A_221 = arith.shrui %squeeze3A_219, %shift_right_logical3A_220 : i32
    %shift_left3A_222 = arith.constant 7 : i32
    %shift_left3A_223 = arith.shli %shift_right_logical3A_221, %shift_left3A_222 : i32
    %multiple_of3A_224 = tpu.assume_multiple %shift_left3A_223, 128 : i32
    %add3A_225 = arith.constant 8 : i32
    %add3A_226 = arith.addi %mul3A_0, %add3A_225 : i32
    %multiple_of3A_227 = tpu.assume_multiple %add3A_226, 8 : i32
    %dma_start3A_228 = arith.constant 96 : i32
    %dma_start3A_229 = arith.constant 0 : i32
    %dma_start3A_230 = tpu.memref_slice %arg8[%dma_start3A_228, %dma_start3A_229] : memref<256x128xf32, #tpu.memory_space<vmem>> -> memref<8x128xf32, #tpu.memory_space<vmem>>
    %dma_start3A_231 = tpu.memref_slice %arg2[%multiple_of3A_227, %multiple_of3A_224] : memref<512x100000xf32, #tpu.memory_space<hbm>> -> memref<8x128xf32, #tpu.memory_space<hbm>>
    %dma_start3A_232 = arith.constant 96 : i32
    %dma_start3A_233 = arith.constant 0 : i32
    %dma_start3A_234 = tpu.memref_slice %arg8[%dma_start3A_232, %dma_start3A_233] : memref<256x128xf32, #tpu.memory_space<vmem>> -> memref<8x128xf32, #tpu.memory_space<vmem>>
    %dma_start3A_235 = tpu.memref_slice %arg2[%multiple_of3A_227, %multiple_of3A_224] : memref<512x100000xf32, #tpu.memory_space<hbm>> -> memref<8x128xf32, #tpu.memory_space<hbm>>
    tpu.enqueue_dma source(%dma_start3A_235 : memref<8x128xf32, #tpu.memory_space<hbm>>) target(%dma_start3A_234 : memref<8x128xf32, #tpu.memory_space<vmem>>) target_semaphore(%arg13 : memref<!tpu.dma_semaphore, #tpu.memory_space<semaphore_mem>>)
    %slice3A_236 = vector.extract_strided_slice %get3A_5 {offsets = [13], sizes = [1], strides = [1]} : vector<16xi32> to vector<1xi32>
    %squeeze3A_237 = vector.extract %slice3A_236[0] : i32 from vector<1xi32>
    %shift_right_logical3A_238 = arith.constant 7 : i32
    %shift_right_logical3A_239 = arith.shrui %squeeze3A_237, %shift_right_logical3A_238 : i32
    %shift_left3A_240 = arith.constant 7 : i32
    %shift_left3A_241 = arith.shli %shift_right_logical3A_239, %shift_left3A_240 : i32
    %multiple_of3A_242 = tpu.assume_multiple %shift_left3A_241, 128 : i32
    %add3A_243 = arith.constant 8 : i32
    %add3A_244 = arith.addi %mul3A_0, %add3A_243 : i32
    %multiple_of3A_245 = tpu.assume_multiple %add3A_244, 8 : i32
    %dma_start3A_246 = arith.constant 104 : i32
    %dma_start3A_247 = arith.constant 0 : i32
    %dma_start3A_248 = tpu.memref_slice %arg8[%dma_start3A_246, %dma_start3A_247] : memref<256x128xf32, #tpu.memory_space<vmem>> -> memref<8x128xf32, #tpu.memory_space<vmem>>
    %dma_start3A_249 = tpu.memref_slice %arg2[%multiple_of3A_245, %multiple_of3A_242] : memref<512x100000xf32, #tpu.memory_space<hbm>> -> memref<8x128xf32, #tpu.memory_space<hbm>>
    %dma_start3A_250 = arith.constant 104 : i32
    %dma_start3A_251 = arith.constant 0 : i32
    %dma_start3A_252 = tpu.memref_slice %arg8[%dma_start3A_250, %dma_start3A_251] : memref<256x128xf32, #tpu.memory_space<vmem>> -> memref<8x128xf32, #tpu.memory_space<vmem>>
    %dma_start3A_253 = tpu.memref_slice %arg2[%multiple_of3A_245, %multiple_of3A_242] : memref<512x100000xf32, #tpu.memory_space<hbm>> -> memref<8x128xf32, #tpu.memory_space<hbm>>
    tpu.enqueue_dma source(%dma_start3A_253 : memref<8x128xf32, #tpu.memory_space<hbm>>) target(%dma_start3A_252 : memref<8x128xf32, #tpu.memory_space<vmem>>) target_semaphore(%arg13 : memref<!tpu.dma_semaphore, #tpu.memory_space<semaphore_mem>>)
    %slice3A_254 = vector.extract_strided_slice %get3A_5 {offsets = [14], sizes = [1], strides = [1]} : vector<16xi32> to vector<1xi32>
    %squeeze3A_255 = vector.extract %slice3A_254[0] : i32 from vector<1xi32>
    %shift_right_logical3A_256 = arith.constant 7 : i32
    %shift_right_logical3A_257 = arith.shrui %squeeze3A_255, %shift_right_logical3A_256 : i32
    %shift_left3A_258 = arith.constant 7 : i32
    %shift_left3A_259 = arith.shli %shift_right_logical3A_257, %shift_left3A_258 : i32
    %multiple_of3A_260 = tpu.assume_multiple %shift_left3A_259, 128 : i32
    %add3A_261 = arith.constant 8 : i32
    %add3A_262 = arith.addi %mul3A_0, %add3A_261 : i32
    %multiple_of3A_263 = tpu.assume_multiple %add3A_262, 8 : i32
    %dma_start3A_264 = arith.constant 112 : i32
    %dma_start3A_265 = arith.constant 0 : i32
    %dma_start3A_266 = tpu.memref_slice %arg8[%dma_start3A_264, %dma_start3A_265] : memref<256x128xf32, #tpu.memory_space<vmem>> -> memref<8x128xf32, #tpu.memory_space<vmem>>
    %dma_start3A_267 = tpu.memref_slice %arg2[%multiple_of3A_263, %multiple_of3A_260] : memref<512x100000xf32, #tpu.memory_space<hbm>> -> memref<8x128xf32, #tpu.memory_space<hbm>>
    %dma_start3A_268 = arith.constant 112 : i32
    %dma_start3A_269 = arith.constant 0 : i32
    %dma_start3A_270 = tpu.memref_slice %arg8[%dma_start3A_268, %dma_start3A_269] : memref<256x128xf32, #tpu.memory_space<vmem>> -> memref<8x128xf32, #tpu.memory_space<vmem>>
    %dma_start3A_271 = tpu.memref_slice %arg2[%multiple_of3A_263, %multiple_of3A_260] : memref<512x100000xf32, #tpu.memory_space<hbm>> -> memref<8x128xf32, #tpu.memory_space<hbm>>
    tpu.enqueue_dma source(%dma_start3A_271 : memref<8x128xf32, #tpu.memory_space<hbm>>) target(%dma_start3A_270 : memref<8x128xf32, #tpu.memory_space<vmem>>) target_semaphore(%arg13 : memref<!tpu.dma_semaphore, #tpu.memory_space<semaphore_mem>>)
    %slice3A_272 = vector.extract_strided_slice %get3A_5 {offsets = [15], sizes = [1], strides = [1]} : vector<16xi32> to vector<1xi32>
    %squeeze3A_273 = vector.extract %slice3A_272[0] : i32 from vector<1xi32>
    %shift_right_logical3A_274 = arith.constant 7 : i32
    %shift_right_logical3A_275 = arith.shrui %squeeze3A_273, %shift_right_logical3A_274 : i32
    %shift_left3A_276 = arith.constant 7 : i32
    %shift_left3A_277 = arith.shli %shift_right_logical3A_275, %shift_left3A_276 : i32
    %multiple_of3A_278 = tpu.assume_multiple %shift_left3A_277, 128 : i32
    %add3A_279 = arith.constant 8 : i32
    %add3A_280 = arith.addi %mul3A_0, %add3A_279 : i32
    %multiple_of3A_281 = tpu.assume_multiple %add3A_280, 8 : i32
    %dma_start3A_282 = arith.constant 120 : i32
    %dma_start3A_283 = arith.constant 0 : i32
    %dma_start3A_284 = tpu.memref_slice %arg8[%dma_start3A_282, %dma_start3A_283] : memref<256x128xf32, #tpu.memory_space<vmem>> -> memref<8x128xf32, #tpu.memory_space<vmem>>
    %dma_start3A_285 = tpu.memref_slice %arg2[%multiple_of3A_281, %multiple_of3A_278] : memref<512x100000xf32, #tpu.memory_space<hbm>> -> memref<8x128xf32, #tpu.memory_space<hbm>>
    %dma_start3A_286 = arith.constant 120 : i32
    %dma_start3A_287 = arith.constant 0 : i32
    %dma_start3A_288 = tpu.memref_slice %arg8[%dma_start3A_286, %dma_start3A_287] : memref<256x128xf32, #tpu.memory_space<vmem>> -> memref<8x128xf32, #tpu.memory_space<vmem>>
    %dma_start3A_289 = tpu.memref_slice %arg2[%multiple_of3A_281, %multiple_of3A_278] : memref<512x100000xf32, #tpu.memory_space<hbm>> -> memref<8x128xf32, #tpu.memory_space<hbm>>
    tpu.enqueue_dma source(%dma_start3A_289 : memref<8x128xf32, #tpu.memory_space<hbm>>) target(%dma_start3A_288 : memref<8x128xf32, #tpu.memory_space<vmem>>) target_semaphore(%arg13 : memref<!tpu.dma_semaphore, #tpu.memory_space<semaphore_mem>>)
    %slice3A_290 = vector.extract_strided_slice %get3A_7 {offsets = [0], sizes = [1], strides = [1]} : vector<16xi32> to vector<1xi32>
    %squeeze3A_291 = vector.extract %slice3A_290[0] : i32 from vector<1xi32>
    %shift_right_logical3A_292 = arith.constant 7 : i32
    %shift_right_logical3A_293 = arith.shrui %squeeze3A_291, %shift_right_logical3A_292 : i32
    %shift_left3A_294 = arith.constant 7 : i32
    %shift_left3A_295 = arith.shli %shift_right_logical3A_293, %shift_left3A_294 : i32
    %multiple_of3A_296 = tpu.assume_multiple %shift_left3A_295, 128 : i32
    %add3A_297 = arith.constant 16 : i32
    %add3A_298 = arith.addi %mul3A_0, %add3A_297 : i32
    %multiple_of3A_299 = tpu.assume_multiple %add3A_298, 8 : i32
    %dma_start3A_300 = arith.constant 128 : i32
    %dma_start3A_301 = arith.constant 0 : i32
    %dma_start3A_302 = tpu.memref_slice %arg8[%dma_start3A_300, %dma_start3A_301] : memref<256x128xf32, #tpu.memory_space<vmem>> -> memref<8x128xf32, #tpu.memory_space<vmem>>
    %dma_start3A_303 = tpu.memref_slice %arg2[%multiple_of3A_299, %multiple_of3A_296] : memref<512x100000xf32, #tpu.memory_space<hbm>> -> memref<8x128xf32, #tpu.memory_space<hbm>>
    %dma_start3A_304 = arith.constant 128 : i32
    %dma_start3A_305 = arith.constant 0 : i32
    %dma_start3A_306 = tpu.memref_slice %arg8[%dma_start3A_304, %dma_start3A_305] : memref<256x128xf32, #tpu.memory_space<vmem>> -> memref<8x128xf32, #tpu.memory_space<vmem>>
    %dma_start3A_307 = tpu.memref_slice %arg2[%multiple_of3A_299, %multiple_of3A_296] : memref<512x100000xf32, #tpu.memory_space<hbm>> -> memref<8x128xf32, #tpu.memory_space<hbm>>
    tpu.enqueue_dma source(%dma_start3A_307 : memref<8x128xf32, #tpu.memory_space<hbm>>) target(%dma_start3A_306 : memref<8x128xf32, #tpu.memory_space<vmem>>) target_semaphore(%arg13 : memref<!tpu.dma_semaphore, #tpu.memory_space<semaphore_mem>>)
    %slice3A_308 = vector.extract_strided_slice %get3A_7 {offsets = [1], sizes = [1], strides = [1]} : vector<16xi32> to vector<1xi32>
    %squeeze3A_309 = vector.extract %slice3A_308[0] : i32 from vector<1xi32>
    %shift_right_logical3A_310 = arith.constant 7 : i32
    %shift_right_logical3A_311 = arith.shrui %squeeze3A_309, %shift_right_logical3A_310 : i32
    %shift_left3A_312 = arith.constant 7 : i32
    %shift_left3A_313 = arith.shli %shift_right_logical3A_311, %shift_left3A_312 : i32
    %multiple_of3A_314 = tpu.assume_multiple %shift_left3A_313, 128 : i32
    %add3A_315 = arith.constant 16 : i32
    %add3A_316 = arith.addi %mul3A_0, %add3A_315 : i32
    %multiple_of3A_317 = tpu.assume_multiple %add3A_316, 8 : i32
    %dma_start3A_318 = arith.constant 136 : i32
    %dma_start3A_319 = arith.constant 0 : i32
    %dma_start3A_320 = tpu.memref_slice %arg8[%dma_start3A_318, %dma_start3A_319] : memref<256x128xf32, #tpu.memory_space<vmem>> -> memref<8x128xf32, #tpu.memory_space<vmem>>
    %dma_start3A_321 = tpu.memref_slice %arg2[%multiple_of3A_317, %multiple_of3A_314] : memref<512x100000xf32, #tpu.memory_space<hbm>> -> memref<8x128xf32, #tpu.memory_space<hbm>>
    %dma_start3A_322 = arith.constant 136 : i32
    %dma_start3A_323 = arith.constant 0 : i32
    %dma_start3A_324 = tpu.memref_slice %arg8[%dma_start3A_322, %dma_start3A_323] : memref<256x128xf32, #tpu.memory_space<vmem>> -> memref<8x128xf32, #tpu.memory_space<vmem>>
    %dma_start3A_325 = tpu.memref_slice %arg2[%multiple_of3A_317, %multiple_of3A_314] : memref<512x100000xf32, #tpu.memory_space<hbm>> -> memref<8x128xf32, #tpu.memory_space<hbm>>
    tpu.enqueue_dma source(%dma_start3A_325 : memref<8x128xf32, #tpu.memory_space<hbm>>) target(%dma_start3A_324 : memref<8x128xf32, #tpu.memory_space<vmem>>) target_semaphore(%arg13 : memref<!tpu.dma_semaphore, #tpu.memory_space<semaphore_mem>>)
    %slice3A_326 = vector.extract_strided_slice %get3A_7 {offsets = [2], sizes = [1], strides = [1]} : vector<16xi32> to vector<1xi32>
    %squeeze3A_327 = vector.extract %slice3A_326[0] : i32 from vector<1xi32>
    %shift_right_logical3A_328 = arith.constant 7 : i32
    %shift_right_logical3A_329 = arith.shrui %squeeze3A_327, %shift_right_logical3A_328 : i32
    %shift_left3A_330 = arith.constant 7 : i32
    %shift_left3A_331 = arith.shli %shift_right_logical3A_329, %shift_left3A_330 : i32
    %multiple_of3A_332 = tpu.assume_multiple %shift_left3A_331, 128 : i32
    %add3A_333 = arith.constant 16 : i32
    %add3A_334 = arith.addi %mul3A_0, %add3A_333 : i32
    %multiple_of3A_335 = tpu.assume_multiple %add3A_334, 8 : i32
    %dma_start3A_336 = arith.constant 144 : i32
    %dma_start3A_337 = arith.constant 0 : i32
    %dma_start3A_338 = tpu.memref_slice %arg8[%dma_start3A_336, %dma_start3A_337] : memref<256x128xf32, #tpu.memory_space<vmem>> -> memref<8x128xf32, #tpu.memory_space<vmem>>
    %dma_start3A_339 = tpu.memref_slice %arg2[%multiple_of3A_335, %multiple_of3A_332] : memref<512x100000xf32, #tpu.memory_space<hbm>> -> memref<8x128xf32, #tpu.memory_space<hbm>>
    %dma_start3A_340 = arith.constant 144 : i32
    %dma_start3A_341 = arith.constant 0 : i32
    %dma_start3A_342 = tpu.memref_slice %arg8[%dma_start3A_340, %dma_start3A_341] : memref<256x128xf32, #tpu.memory_space<vmem>> -> memref<8x128xf32, #tpu.memory_space<vmem>>
    %dma_start3A_343 = tpu.memref_slice %arg2[%multiple_of3A_335, %multiple_of3A_332] : memref<512x100000xf32, #tpu.memory_space<hbm>> -> memref<8x128xf32, #tpu.memory_space<hbm>>
    tpu.enqueue_dma source(%dma_start3A_343 : memref<8x128xf32, #tpu.memory_space<hbm>>) target(%dma_start3A_342 : memref<8x128xf32, #tpu.memory_space<vmem>>) target_semaphore(%arg13 : memref<!tpu.dma_semaphore, #tpu.memory_space<semaphore_mem>>)
    %slice3A_344 = vector.extract_strided_slice %get3A_7 {offsets = [3], sizes = [1], strides = [1]} : vector<16xi32> to vector<1xi32>
    %squeeze3A_345 = vector.extract %slice3A_344[0] : i32 from vector<1xi32>
    %shift_right_logical3A_346 = arith.constant 7 : i32
    %shift_right_logical3A_347 = arith.shrui %squeeze3A_345, %shift_right_logical3A_346 : i32
    %shift_left3A_348 = arith.constant 7 : i32
    %shift_left3A_349 = arith.shli %shift_right_logical3A_347, %shift_left3A_348 : i32
    %multiple_of3A_350 = tpu.assume_multiple %shift_left3A_349, 128 : i32
    %add3A_351 = arith.constant 16 : i32
    %add3A_352 = arith.addi %mul3A_0, %add3A_351 : i32
    %multiple_of3A_353 = tpu.assume_multiple %add3A_352, 8 : i32
    %dma_start3A_354 = arith.constant 152 : i32
    %dma_start3A_355 = arith.constant 0 : i32
    %dma_start3A_356 = tpu.memref_slice %arg8[%dma_start3A_354, %dma_start3A_355] : memref<256x128xf32, #tpu.memory_space<vmem>> -> memref<8x128xf32, #tpu.memory_space<vmem>>
    %dma_start3A_357 = tpu.memref_slice %arg2[%multiple_of3A_353, %multiple_of3A_350] : memref<512x100000xf32, #tpu.memory_space<hbm>> -> memref<8x128xf32, #tpu.memory_space<hbm>>
    %dma_start3A_358 = arith.constant 152 : i32
    %dma_start3A_359 = arith.constant 0 : i32
    %dma_start3A_360 = tpu.memref_slice %arg8[%dma_start3A_358, %dma_start3A_359] : memref<256x128xf32, #tpu.memory_space<vmem>> -> memref<8x128xf32, #tpu.memory_space<vmem>>
    %dma_start3A_361 = tpu.memref_slice %arg2[%multiple_of3A_353, %multiple_of3A_350] : memref<512x100000xf32, #tpu.memory_space<hbm>> -> memref<8x128xf32, #tpu.memory_space<hbm>>
    tpu.enqueue_dma source(%dma_start3A_361 : memref<8x128xf32, #tpu.memory_space<hbm>>) target(%dma_start3A_360 : memref<8x128xf32, #tpu.memory_space<vmem>>) target_semaphore(%arg13 : memref<!tpu.dma_semaphore, #tpu.memory_space<semaphore_mem>>)
    %slice3A_362 = vector.extract_strided_slice %get3A_7 {offsets = [4], sizes = [1], strides = [1]} : vector<16xi32> to vector<1xi32>
    %squeeze3A_363 = vector.extract %slice3A_362[0] : i32 from vector<1xi32>
    %shift_right_logical3A_364 = arith.constant 7 : i32
    %shift_right_logical3A_365 = arith.shrui %squeeze3A_363, %shift_right_logical3A_364 : i32
    %shift_left3A_366 = arith.constant 7 : i32
    %shift_left3A_367 = arith.shli %shift_right_logical3A_365, %shift_left3A_366 : i32
    %multiple_of3A_368 = tpu.assume_multiple %shift_left3A_367, 128 : i32
    %add3A_369 = arith.constant 16 : i32
    %add3A_370 = arith.addi %mul3A_0, %add3A_369 : i32
    %multiple_of3A_371 = tpu.assume_multiple %add3A_370, 8 : i32
    %dma_start3A_372 = arith.constant 160 : i32
    %dma_start3A_373 = arith.constant 0 : i32
    %dma_start3A_374 = tpu.memref_slice %arg8[%dma_start3A_372, %dma_start3A_373] : memref<256x128xf32, #tpu.memory_space<vmem>> -> memref<8x128xf32, #tpu.memory_space<vmem>>
    %dma_start3A_375 = tpu.memref_slice %arg2[%multiple_of3A_371, %multiple_of3A_368] : memref<512x100000xf32, #tpu.memory_space<hbm>> -> memref<8x128xf32, #tpu.memory_space<hbm>>
    %dma_start3A_376 = arith.constant 160 : i32
    %dma_start3A_377 = arith.constant 0 : i32
    %dma_start3A_378 = tpu.memref_slice %arg8[%dma_start3A_376, %dma_start3A_377] : memref<256x128xf32, #tpu.memory_space<vmem>> -> memref<8x128xf32, #tpu.memory_space<vmem>>
    %dma_start3A_379 = tpu.memref_slice %arg2[%multiple_of3A_371, %multiple_of3A_368] : memref<512x100000xf32, #tpu.memory_space<hbm>> -> memref<8x128xf32, #tpu.memory_space<hbm>>
    tpu.enqueue_dma source(%dma_start3A_379 : memref<8x128xf32, #tpu.memory_space<hbm>>) target(%dma_start3A_378 : memref<8x128xf32, #tpu.memory_space<vmem>>) target_semaphore(%arg13 : memref<!tpu.dma_semaphore, #tpu.memory_space<semaphore_mem>>)
    %slice3A_380 = vector.extract_strided_slice %get3A_7 {offsets = [5], sizes = [1], strides = [1]} : vector<16xi32> to vector<1xi32>
    %squeeze3A_381 = vector.extract %slice3A_380[0] : i32 from vector<1xi32>
    %shift_right_logical3A_382 = arith.constant 7 : i32
    %shift_right_logical3A_383 = arith.shrui %squeeze3A_381, %shift_right_logical3A_382 : i32
    %shift_left3A_384 = arith.constant 7 : i32
    %shift_left3A_385 = arith.shli %shift_right_logical3A_383, %shift_left3A_384 : i32
    %multiple_of3A_386 = tpu.assume_multiple %shift_left3A_385, 128 : i32
    %add3A_387 = arith.constant 16 : i32
    %add3A_388 = arith.addi %mul3A_0, %add3A_387 : i32
    %multiple_of3A_389 = tpu.assume_multiple %add3A_388, 8 : i32
    %dma_start3A_390 = arith.constant 168 : i32
    %dma_start3A_391 = arith.constant 0 : i32
    %dma_start3A_392 = tpu.memref_slice %arg8[%dma_start3A_390, %dma_start3A_391] : memref<256x128xf32, #tpu.memory_space<vmem>> -> memref<8x128xf32, #tpu.memory_space<vmem>>
    %dma_start3A_393 = tpu.memref_slice %arg2[%multiple_of3A_389, %multiple_of3A_386] : memref<512x100000xf32, #tpu.memory_space<hbm>> -> memref<8x128xf32, #tpu.memory_space<hbm>>
    %dma_start3A_394 = arith.constant 168 : i32
    %dma_start3A_395 = arith.constant 0 : i32
    %dma_start3A_396 = tpu.memref_slice %arg8[%dma_start3A_394, %dma_start3A_395] : memref<256x128xf32, #tpu.memory_space<vmem>> -> memref<8x128xf32, #tpu.memory_space<vmem>>
    %dma_start3A_397 = tpu.memref_slice %arg2[%multiple_of3A_389, %multiple_of3A_386] : memref<512x100000xf32, #tpu.memory_space<hbm>> -> memref<8x128xf32, #tpu.memory_space<hbm>>
    tpu.enqueue_dma source(%dma_start3A_397 : memref<8x128xf32, #tpu.memory_space<hbm>>) target(%dma_start3A_396 : memref<8x128xf32, #tpu.memory_space<vmem>>) target_semaphore(%arg13 : memref<!tpu.dma_semaphore, #tpu.memory_space<semaphore_mem>>)
    %slice3A_398 = vector.extract_strided_slice %get3A_7 {offsets = [6], sizes = [1], strides = [1]} : vector<16xi32> to vector<1xi32>
    %squeeze3A_399 = vector.extract %slice3A_398[0] : i32 from vector<1xi32>
    %shift_right_logical3A_400 = arith.constant 7 : i32
    %shift_right_logical3A_401 = arith.shrui %squeeze3A_399, %shift_right_logical3A_400 : i32
    %shift_left3A_402 = arith.constant 7 : i32
    %shift_left3A_403 = arith.shli %shift_right_logical3A_401, %shift_left3A_402 : i32
    %multiple_of3A_404 = tpu.assume_multiple %shift_left3A_403, 128 : i32
    %add3A_405 = arith.constant 16 : i32
    %add3A_406 = arith.addi %mul3A_0, %add3A_405 : i32
    %multiple_of3A_407 = tpu.assume_multiple %add3A_406, 8 : i32
    %dma_start3A_408 = arith.constant 176 : i32
    %dma_start3A_409 = arith.constant 0 : i32
    %dma_start3A_410 = tpu.memref_slice %arg8[%dma_start3A_408, %dma_start3A_409] : memref<256x128xf32, #tpu.memory_space<vmem>> -> memref<8x128xf32, #tpu.memory_space<vmem>>
    %dma_start3A_411 = tpu.memref_slice %arg2[%multiple_of3A_407, %multiple_of3A_404] : memref<512x100000xf32, #tpu.memory_space<hbm>> -> memref<8x128xf32, #tpu.memory_space<hbm>>
    %dma_start3A_412 = arith.constant 176 : i32
    %dma_start3A_413 = arith.constant 0 : i32
    %dma_start3A_414 = tpu.memref_slice %arg8[%dma_start3A_412, %dma_start3A_413] : memref<256x128xf32, #tpu.memory_space<vmem>> -> memref<8x128xf32, #tpu.memory_space<vmem>>
    %dma_start3A_415 = tpu.memref_slice %arg2[%multiple_of3A_407, %multiple_of3A_404] : memref<512x100000xf32, #tpu.memory_space<hbm>> -> memref<8x128xf32, #tpu.memory_space<hbm>>
    tpu.enqueue_dma source(%dma_start3A_415 : memref<8x128xf32, #tpu.memory_space<hbm>>) target(%dma_start3A_414 : memref<8x128xf32, #tpu.memory_space<vmem>>) target_semaphore(%arg13 : memref<!tpu.dma_semaphore, #tpu.memory_space<semaphore_mem>>)
    %slice3A_416 = vector.extract_strided_slice %get3A_7 {offsets = [7], sizes = [1], strides = [1]} : vector<16xi32> to vector<1xi32>
    %squeeze3A_417 = vector.extract %slice3A_416[0] : i32 from vector<1xi32>
    %shift_right_logical3A_418 = arith.constant 7 : i32
    %shift_right_logical3A_419 = arith.shrui %squeeze3A_417, %shift_right_logical3A_418 : i32
    %shift_left3A_420 = arith.constant 7 : i32
    %shift_left3A_421 = arith.shli %shift_right_logical3A_419, %shift_left3A_420 : i32
    %multiple_of3A_422 = tpu.assume_multiple %shift_left3A_421, 128 : i32
    %add3A_423 = arith.constant 16 : i32
    %add3A_424 = arith.addi %mul3A_0, %add3A_423 : i32
    %multiple_of3A_425 = tpu.assume_multiple %add3A_424, 8 : i32
    %dma_start3A_426 = arith.constant 184 : i32
    %dma_start3A_427 = arith.constant 0 : i32
    %dma_start3A_428 = tpu.memref_slice %arg8[%dma_start3A_426, %dma_start3A_427] : memref<256x128xf32, #tpu.memory_space<vmem>> -> memref<8x128xf32, #tpu.memory_space<vmem>>
    %dma_start3A_429 = tpu.memref_slice %arg2[%multiple_of3A_425, %multiple_of3A_422] : memref<512x100000xf32, #tpu.memory_space<hbm>> -> memref<8x128xf32, #tpu.memory_space<hbm>>
    %dma_start3A_430 = arith.constant 184 : i32
    %dma_start3A_431 = arith.constant 0 : i32
    %dma_start3A_432 = tpu.memref_slice %arg8[%dma_start3A_430, %dma_start3A_431] : memref<256x128xf32, #tpu.memory_space<vmem>> -> memref<8x128xf32, #tpu.memory_space<vmem>>
    %dma_start3A_433 = tpu.memref_slice %arg2[%multiple_of3A_425, %multiple_of3A_422] : memref<512x100000xf32, #tpu.memory_space<hbm>> -> memref<8x128xf32, #tpu.memory_space<hbm>>
    tpu.enqueue_dma source(%dma_start3A_433 : memref<8x128xf32, #tpu.memory_space<hbm>>) target(%dma_start3A_432 : memref<8x128xf32, #tpu.memory_space<vmem>>) target_semaphore(%arg13 : memref<!tpu.dma_semaphore, #tpu.memory_space<semaphore_mem>>)
    %slice3A_434 = vector.extract_strided_slice %get3A_7 {offsets = [8], sizes = [1], strides = [1]} : vector<16xi32> to vector<1xi32>
    %squeeze3A_435 = vector.extract %slice3A_434[0] : i32 from vector<1xi32>
    %shift_right_logical3A_436 = arith.constant 7 : i32
    %shift_right_logical3A_437 = arith.shrui %squeeze3A_435, %shift_right_logical3A_436 : i32
    %shift_left3A_438 = arith.constant 7 : i32
    %shift_left3A_439 = arith.shli %shift_right_logical3A_437, %shift_left3A_438 : i32
    %multiple_of3A_440 = tpu.assume_multiple %shift_left3A_439, 128 : i32
    %add3A_441 = arith.constant 24 : i32
    %add3A_442 = arith.addi %mul3A_0, %add3A_441 : i32
    %multiple_of3A_443 = tpu.assume_multiple %add3A_442, 8 : i32
    %dma_start3A_444 = arith.constant 192 : i32
    %dma_start3A_445 = arith.constant 0 : i32
    %dma_start3A_446 = tpu.memref_slice %arg8[%dma_start3A_444, %dma_start3A_445] : memref<256x128xf32, #tpu.memory_space<vmem>> -> memref<8x128xf32, #tpu.memory_space<vmem>>
    %dma_start3A_447 = tpu.memref_slice %arg2[%multiple_of3A_443, %multiple_of3A_440] : memref<512x100000xf32, #tpu.memory_space<hbm>> -> memref<8x128xf32, #tpu.memory_space<hbm>>
    %dma_start3A_448 = arith.constant 192 : i32
    %dma_start3A_449 = arith.constant 0 : i32
    %dma_start3A_450 = tpu.memref_slice %arg8[%dma_start3A_448, %dma_start3A_449] : memref<256x128xf32, #tpu.memory_space<vmem>> -> memref<8x128xf32, #tpu.memory_space<vmem>>
    %dma_start3A_451 = tpu.memref_slice %arg2[%multiple_of3A_443, %multiple_of3A_440] : memref<512x100000xf32, #tpu.memory_space<hbm>> -> memref<8x128xf32, #tpu.memory_space<hbm>>
    tpu.enqueue_dma source(%dma_start3A_451 : memref<8x128xf32, #tpu.memory_space<hbm>>) target(%dma_start3A_450 : memref<8x128xf32, #tpu.memory_space<vmem>>) target_semaphore(%arg13 : memref<!tpu.dma_semaphore, #tpu.memory_space<semaphore_mem>>)
    %slice3A_452 = vector.extract_strided_slice %get3A_7 {offsets = [9], sizes = [1], strides = [1]} : vector<16xi32> to vector<1xi32>
    %squeeze3A_453 = vector.extract %slice3A_452[0] : i32 from vector<1xi32>
    %shift_right_logical3A_454 = arith.constant 7 : i32
    %shift_right_logical3A_455 = arith.shrui %squeeze3A_453, %shift_right_logical3A_454 : i32
    %shift_left3A_456 = arith.constant 7 : i32
    %shift_left3A_457 = arith.shli %shift_right_logical3A_455, %shift_left3A_456 : i32
    %multiple_of3A_458 = tpu.assume_multiple %shift_left3A_457, 128 : i32
    %add3A_459 = arith.constant 24 : i32
    %add3A_460 = arith.addi %mul3A_0, %add3A_459 : i32
    %multiple_of3A_461 = tpu.assume_multiple %add3A_460, 8 : i32
    %dma_start3A_462 = arith.constant 200 : i32
    %dma_start3A_463 = arith.constant 0 : i32
    %dma_start3A_464 = tpu.memref_slice %arg8[%dma_start3A_462, %dma_start3A_463] : memref<256x128xf32, #tpu.memory_space<vmem>> -> memref<8x128xf32, #tpu.memory_space<vmem>>
    %dma_start3A_465 = tpu.memref_slice %arg2[%multiple_of3A_461, %multiple_of3A_458] : memref<512x100000xf32, #tpu.memory_space<hbm>> -> memref<8x128xf32, #tpu.memory_space<hbm>>
    %dma_start3A_466 = arith.constant 200 : i32
    %dma_start3A_467 = arith.constant 0 : i32
    %dma_start3A_468 = tpu.memref_slice %arg8[%dma_start3A_466, %dma_start3A_467] : memref<256x128xf32, #tpu.memory_space<vmem>> -> memref<8x128xf32, #tpu.memory_space<vmem>>
    %dma_start3A_469 = tpu.memref_slice %arg2[%multiple_of3A_461, %multiple_of3A_458] : memref<512x100000xf32, #tpu.memory_space<hbm>> -> memref<8x128xf32, #tpu.memory_space<hbm>>
    tpu.enqueue_dma source(%dma_start3A_469 : memref<8x128xf32, #tpu.memory_space<hbm>>) target(%dma_start3A_468 : memref<8x128xf32, #tpu.memory_space<vmem>>) target_semaphore(%arg13 : memref<!tpu.dma_semaphore, #tpu.memory_space<semaphore_mem>>)
    %slice3A_470 = vector.extract_strided_slice %get3A_7 {offsets = [10], sizes = [1], strides = [1]} : vector<16xi32> to vector<1xi32>
    %squeeze3A_471 = vector.extract %slice3A_470[0] : i32 from vector<1xi32>
    %shift_right_logical3A_472 = arith.constant 7 : i32
    %shift_right_logical3A_473 = arith.shrui %squeeze3A_471, %shift_right_logical3A_472 : i32
    %shift_left3A_474 = arith.constant 7 : i32
    %shift_left3A_475 = arith.shli %shift_right_logical3A_473, %shift_left3A_474 : i32
    %multiple_of3A_476 = tpu.assume_multiple %shift_left3A_475, 128 : i32
    %add3A_477 = arith.constant 24 : i32
    %add3A_478 = arith.addi %mul3A_0, %add3A_477 : i32
    %multiple_of3A_479 = tpu.assume_multiple %add3A_478, 8 : i32
    %dma_start3A_480 = arith.constant 208 : i32
    %dma_start3A_481 = arith.constant 0 : i32
    %dma_start3A_482 = tpu.memref_slice %arg8[%dma_start3A_480, %dma_start3A_481] : memref<256x128xf32, #tpu.memory_space<vmem>> -> memref<8x128xf32, #tpu.memory_space<vmem>>
    %dma_start3A_483 = tpu.memref_slice %arg2[%multiple_of3A_479, %multiple_of3A_476] : memref<512x100000xf32, #tpu.memory_space<hbm>> -> memref<8x128xf32, #tpu.memory_space<hbm>>
    %dma_start3A_484 = arith.constant 208 : i32
    %dma_start3A_485 = arith.constant 0 : i32
    %dma_start3A_486 = tpu.memref_slice %arg8[%dma_start3A_484, %dma_start3A_485] : memref<256x128xf32, #tpu.memory_space<vmem>> -> memref<8x128xf32, #tpu.memory_space<vmem>>
    %dma_start3A_487 = tpu.memref_slice %arg2[%multiple_of3A_479, %multiple_of3A_476] : memref<512x100000xf32, #tpu.memory_space<hbm>> -> memref<8x128xf32, #tpu.memory_space<hbm>>
    tpu.enqueue_dma source(%dma_start3A_487 : memref<8x128xf32, #tpu.memory_space<hbm>>) target(%dma_start3A_486 : memref<8x128xf32, #tpu.memory_space<vmem>>) target_semaphore(%arg13 : memref<!tpu.dma_semaphore, #tpu.memory_space<semaphore_mem>>)
    %slice3A_488 = vector.extract_strided_slice %get3A_7 {offsets = [11], sizes = [1], strides = [1]} : vector<16xi32> to vector<1xi32>
    %squeeze3A_489 = vector.extract %slice3A_488[0] : i32 from vector<1xi32>
    %shift_right_logical3A_490 = arith.constant 7 : i32
    %shift_right_logical3A_491 = arith.shrui %squeeze3A_489, %shift_right_logical3A_490 : i32
    %shift_left3A_492 = arith.constant 7 : i32
    %shift_left3A_493 = arith.shli %shift_right_logical3A_491, %shift_left3A_492 : i32
    %multiple_of3A_494 = tpu.assume_multiple %shift_left3A_493, 128 : i32
    %add3A_495 = arith.constant 24 : i32
    %add3A_496 = arith.addi %mul3A_0, %add3A_495 : i32
    %multiple_of3A_497 = tpu.assume_multiple %add3A_496, 8 : i32
    %dma_start3A_498 = arith.constant 216 : i32
    %dma_start3A_499 = arith.constant 0 : i32
    %dma_start3A_500 = tpu.memref_slice %arg8[%dma_start3A_498, %dma_start3A_499] : memref<256x128xf32, #tpu.memory_space<vmem>> -> memref<8x128xf32, #tpu.memory_space<vmem>>
    %dma_start3A_501 = tpu.memref_slice %arg2[%multiple_of3A_497, %multiple_of3A_494] : memref<512x100000xf32, #tpu.memory_space<hbm>> -> memref<8x128xf32, #tpu.memory_space<hbm>>
    %dma_start3A_502 = arith.constant 216 : i32
    %dma_start3A_503 = arith.constant 0 : i32
    %dma_start3A_504 = tpu.memref_slice %arg8[%dma_start3A_502, %dma_start3A_503] : memref<256x128xf32, #tpu.memory_space<vmem>> -> memref<8x128xf32, #tpu.memory_space<vmem>>
    %dma_start3A_505 = tpu.memref_slice %arg2[%multiple_of3A_497, %multiple_of3A_494] : memref<512x100000xf32, #tpu.memory_space<hbm>> -> memref<8x128xf32, #tpu.memory_space<hbm>>
    tpu.enqueue_dma source(%dma_start3A_505 : memref<8x128xf32, #tpu.memory_space<hbm>>) target(%dma_start3A_504 : memref<8x128xf32, #tpu.memory_space<vmem>>) target_semaphore(%arg13 : memref<!tpu.dma_semaphore, #tpu.memory_space<semaphore_mem>>)
    %slice3A_506 = vector.extract_strided_slice %get3A_7 {offsets = [12], sizes = [1], strides = [1]} : vector<16xi32> to vector<1xi32>
    %squeeze3A_507 = vector.extract %slice3A_506[0] : i32 from vector<1xi32>
    %shift_right_logical3A_508 = arith.constant 7 : i32
    %shift_right_logical3A_509 = arith.shrui %squeeze3A_507, %shift_right_logical3A_508 : i32
    %shift_left3A_510 = arith.constant 7 : i32
    %shift_left3A_511 = arith.shli %shift_right_logical3A_509, %shift_left3A_510 : i32
    %multiple_of3A_512 = tpu.assume_multiple %shift_left3A_511, 128 : i32
    %add3A_513 = arith.constant 24 : i32
    %add3A_514 = arith.addi %mul3A_0, %add3A_513 : i32
    %multiple_of3A_515 = tpu.assume_multiple %add3A_514, 8 : i32
    %dma_start3A_516 = arith.constant 224 : i32
    %dma_start3A_517 = arith.constant 0 : i32
    %dma_start3A_518 = tpu.memref_slice %arg8[%dma_start3A_516, %dma_start3A_517] : memref<256x128xf32, #tpu.memory_space<vmem>> -> memref<8x128xf32, #tpu.memory_space<vmem>>
    %dma_start3A_519 = tpu.memref_slice %arg2[%multiple_of3A_515, %multiple_of3A_512] : memref<512x100000xf32, #tpu.memory_space<hbm>> -> memref<8x128xf32, #tpu.memory_space<hbm>>
    %dma_start3A_520 = arith.constant 224 : i32
    %dma_start3A_521 = arith.constant 0 : i32
    %dma_start3A_522 = tpu.memref_slice %arg8[%dma_start3A_520, %dma_start3A_521] : memref<256x128xf32, #tpu.memory_space<vmem>> -> memref<8x128xf32, #tpu.memory_space<vmem>>
    %dma_start3A_523 = tpu.memref_slice %arg2[%multiple_of3A_515, %multiple_of3A_512] : memref<512x100000xf32, #tpu.memory_space<hbm>> -> memref<8x128xf32, #tpu.memory_space<hbm>>
    tpu.enqueue_dma source(%dma_start3A_523 : memref<8x128xf32, #tpu.memory_space<hbm>>) target(%dma_start3A_522 : memref<8x128xf32, #tpu.memory_space<vmem>>) target_semaphore(%arg13 : memref<!tpu.dma_semaphore, #tpu.memory_space<semaphore_mem>>)
    %slice3A_524 = vector.extract_strided_slice %get3A_7 {offsets = [13], sizes = [1], strides = [1]} : vector<16xi32> to vector<1xi32>
    %squeeze3A_525 = vector.extract %slice3A_524[0] : i32 from vector<1xi32>
    %shift_right_logical3A_526 = arith.constant 7 : i32
    %shift_right_logical3A_527 = arith.shrui %squeeze3A_525, %shift_right_logical3A_526 : i32
    %shift_left3A_528 = arith.constant 7 : i32
    %shift_left3A_529 = arith.shli %shift_right_logical3A_527, %shift_left3A_528 : i32
    %multiple_of3A_530 = tpu.assume_multiple %shift_left3A_529, 128 : i32
    %add3A_531 = arith.constant 24 : i32
    %add3A_532 = arith.addi %mul3A_0, %add3A_531 : i32
    %multiple_of3A_533 = tpu.assume_multiple %add3A_532, 8 : i32
    %dma_start3A_534 = arith.constant 232 : i32
    %dma_start3A_535 = arith.constant 0 : i32
    %dma_start3A_536 = tpu.memref_slice %arg8[%dma_start3A_534, %dma_start3A_535] : memref<256x128xf32, #tpu.memory_space<vmem>> -> memref<8x128xf32, #tpu.memory_space<vmem>>
    %dma_start3A_537 = tpu.memref_slice %arg2[%multiple_of3A_533, %multiple_of3A_530] : memref<512x100000xf32, #tpu.memory_space<hbm>> -> memref<8x128xf32, #tpu.memory_space<hbm>>
    %dma_start3A_538 = arith.constant 232 : i32
    %dma_start3A_539 = arith.constant 0 : i32
    %dma_start3A_540 = tpu.memref_slice %arg8[%dma_start3A_538, %dma_start3A_539] : memref<256x128xf32, #tpu.memory_space<vmem>> -> memref<8x128xf32, #tpu.memory_space<vmem>>
    %dma_start3A_541 = tpu.memref_slice %arg2[%multiple_of3A_533, %multiple_of3A_530] : memref<512x100000xf32, #tpu.memory_space<hbm>> -> memref<8x128xf32, #tpu.memory_space<hbm>>
    tpu.enqueue_dma source(%dma_start3A_541 : memref<8x128xf32, #tpu.memory_space<hbm>>) target(%dma_start3A_540 : memref<8x128xf32, #tpu.memory_space<vmem>>) target_semaphore(%arg13 : memref<!tpu.dma_semaphore, #tpu.memory_space<semaphore_mem>>)
    %slice3A_542 = vector.extract_strided_slice %get3A_7 {offsets = [14], sizes = [1], strides = [1]} : vector<16xi32> to vector<1xi32>
    %squeeze3A_543 = vector.extract %slice3A_542[0] : i32 from vector<1xi32>
    %shift_right_logical3A_544 = arith.constant 7 : i32
    %shift_right_logical3A_545 = arith.shrui %squeeze3A_543, %shift_right_logical3A_544 : i32
    %shift_left3A_546 = arith.constant 7 : i32
    %shift_left3A_547 = arith.shli %shift_right_logical3A_545, %shift_left3A_546 : i32
    %multiple_of3A_548 = tpu.assume_multiple %shift_left3A_547, 128 : i32
    %add3A_549 = arith.constant 24 : i32
    %add3A_550 = arith.addi %mul3A_0, %add3A_549 : i32
    %multiple_of3A_551 = tpu.assume_multiple %add3A_550, 8 : i32
    %dma_start3A_552 = arith.constant 240 : i32
    %dma_start3A_553 = arith.constant 0 : i32
    %dma_start3A_554 = tpu.memref_slice %arg8[%dma_start3A_552, %dma_start3A_553] : memref<256x128xf32, #tpu.memory_space<vmem>> -> memref<8x128xf32, #tpu.memory_space<vmem>>
    %dma_start3A_555 = tpu.memref_slice %arg2[%multiple_of3A_551, %multiple_of3A_548] : memref<512x100000xf32, #tpu.memory_space<hbm>> -> memref<8x128xf32, #tpu.memory_space<hbm>>
    %dma_start3A_556 = arith.constant 240 : i32
    %dma_start3A_557 = arith.constant 0 : i32
    %dma_start3A_558 = tpu.memref_slice %arg8[%dma_start3A_556, %dma_start3A_557] : memref<256x128xf32, #tpu.memory_space<vmem>> -> memref<8x128xf32, #tpu.memory_space<vmem>>
    %dma_start3A_559 = tpu.memref_slice %arg2[%multiple_of3A_551, %multiple_of3A_548] : memref<512x100000xf32, #tpu.memory_space<hbm>> -> memref<8x128xf32, #tpu.memory_space<hbm>>
    tpu.enqueue_dma source(%dma_start3A_559 : memref<8x128xf32, #tpu.memory_space<hbm>>) target(%dma_start3A_558 : memref<8x128xf32, #tpu.memory_space<vmem>>) target_semaphore(%arg13 : memref<!tpu.dma_semaphore, #tpu.memory_space<semaphore_mem>>)
    %slice3A_560 = vector.extract_strided_slice %get3A_7 {offsets = [15], sizes = [1], strides = [1]} : vector<16xi32> to vector<1xi32>
    %squeeze3A_561 = vector.extract %slice3A_560[0] : i32 from vector<1xi32>
    %shift_right_logical3A_562 = arith.constant 7 : i32
    %shift_right_logical3A_563 = arith.shrui %squeeze3A_561, %shift_right_logical3A_562 : i32
    %shift_left3A_564 = arith.constant 7 : i32
    %shift_left3A_565 = arith.shli %shift_right_logical3A_563, %shift_left3A_564 : i32
    %multiple_of3A_566 = tpu.assume_multiple %shift_left3A_565, 128 : i32
    %add3A_567 = arith.constant 24 : i32
    %add3A_568 = arith.addi %mul3A_0, %add3A_567 : i32
    %multiple_of3A_569 = tpu.assume_multiple %add3A_568, 8 : i32
    %dma_start3A_570 = arith.constant 248 : i32
    %dma_start3A_571 = arith.constant 0 : i32
    %dma_start3A_572 = tpu.memref_slice %arg8[%dma_start3A_570, %dma_start3A_571] : memref<256x128xf32, #tpu.memory_space<vmem>> -> memref<8x128xf32, #tpu.memory_space<vmem>>
    %dma_start3A_573 = tpu.memref_slice %arg2[%multiple_of3A_569, %multiple_of3A_566] : memref<512x100000xf32, #tpu.memory_space<hbm>> -> memref<8x128xf32, #tpu.memory_space<hbm>>
    %dma_start3A_574 = arith.constant 248 : i32
    %dma_start3A_575 = arith.constant 0 : i32
    %dma_start3A_576 = tpu.memref_slice %arg8[%dma_start3A_574, %dma_start3A_575] : memref<256x128xf32, #tpu.memory_space<vmem>> -> memref<8x128xf32, #tpu.memory_space<vmem>>
    %dma_start3A_577 = tpu.memref_slice %arg2[%multiple_of3A_569, %multiple_of3A_566] : memref<512x100000xf32, #tpu.memory_space<hbm>> -> memref<8x128xf32, #tpu.memory_space<hbm>>
    tpu.enqueue_dma source(%dma_start3A_577 : memref<8x128xf32, #tpu.memory_space<hbm>>) target(%dma_start3A_576 : memref<8x128xf32, #tpu.memory_space<vmem>>) target_semaphore(%arg13 : memref<!tpu.dma_semaphore, #tpu.memory_space<semaphore_mem>>)
    %dma_wait3A_578 = tpu.memref_slice %arg4[%mul3A_0] : memref<512xf32, #tpu.memory_space<hbm>> -> memref<32xf32, #tpu.memory_space<hbm>>
    %dma_wait3A_579 = tpu.memref_slice %arg4[%mul3A_0] : memref<512xf32, #tpu.memory_space<hbm>> -> memref<32xf32, #tpu.memory_space<hbm>>
    tpu.wait_dma2 semaphore(%arg13 : memref<!tpu.dma_semaphore, #tpu.memory_space<semaphore_mem>>) src(%dma_wait3A_579 : memref<32xf32, #tpu.memory_space<hbm>>) dst(%arg7 : memref<32xf32, #tpu.memory_space<vmem>>)
    %dma_wait3A_580 = arith.constant 0 : i32
    %dma_wait3A_581 = arith.constant 0 : i32
    %dma_wait3A_582 = tpu.memref_slice %arg8[%dma_wait3A_580, %dma_wait3A_581] : memref<256x128xf32, #tpu.memory_space<vmem>> -> memref<8x128xf32, #tpu.memory_space<vmem>>
    %dma_wait3A_583 = tpu.memref_slice %arg2[%multiple_of3A_11, %multiple_of3A] : memref<512x100000xf32, #tpu.memory_space<hbm>> -> memref<8x128xf32, #tpu.memory_space<hbm>>
    %dma_wait3A_584 = arith.constant 0 : i32
    %dma_wait3A_585 = arith.constant 0 : i32
    %dma_wait3A_586 = tpu.memref_slice %arg8[%dma_wait3A_584, %dma_wait3A_585] : memref<256x128xf32, #tpu.memory_space<vmem>> -> memref<8x128xf32, #tpu.memory_space<vmem>>
    %dma_wait3A_587 = tpu.memref_slice %arg2[%multiple_of3A_11, %multiple_of3A] : memref<512x100000xf32, #tpu.memory_space<hbm>> -> memref<8x128xf32, #tpu.memory_space<hbm>>
    tpu.wait_dma2 semaphore(%arg13 : memref<!tpu.dma_semaphore, #tpu.memory_space<semaphore_mem>>) src(%dma_wait3A_587 : memref<8x128xf32, #tpu.memory_space<hbm>>) dst(%dma_wait3A_586 : memref<8x128xf32, #tpu.memory_space<vmem>>)
    %dma_wait3A_588 = arith.constant 8 : i32
    %dma_wait3A_589 = arith.constant 0 : i32
    %dma_wait3A_590 = tpu.memref_slice %arg8[%dma_wait3A_588, %dma_wait3A_589] : memref<256x128xf32, #tpu.memory_space<vmem>> -> memref<8x128xf32, #tpu.memory_space<vmem>>
    %dma_wait3A_591 = tpu.memref_slice %arg2[%multiple_of3A_29, %multiple_of3A_26] : memref<512x100000xf32, #tpu.memory_space<hbm>> -> memref<8x128xf32, #tpu.memory_space<hbm>>
    %dma_wait3A_592 = arith.constant 8 : i32
    %dma_wait3A_593 = arith.constant 0 : i32
    %dma_wait3A_594 = tpu.memref_slice %arg8[%dma_wait3A_592, %dma_wait3A_593] : memref<256x128xf32, #tpu.memory_space<vmem>> -> memref<8x128xf32, #tpu.memory_space<vmem>>
    %dma_wait3A_595 = tpu.memref_slice %arg2[%multiple_of3A_29, %multiple_of3A_26] : memref<512x100000xf32, #tpu.memory_space<hbm>> -> memref<8x128xf32, #tpu.memory_space<hbm>>
    tpu.wait_dma2 semaphore(%arg13 : memref<!tpu.dma_semaphore, #tpu.memory_space<semaphore_mem>>) src(%dma_wait3A_595 : memref<8x128xf32, #tpu.memory_space<hbm>>) dst(%dma_wait3A_594 : memref<8x128xf32, #tpu.memory_space<vmem>>)
    %dma_wait3A_596 = arith.constant 16 : i32
    %dma_wait3A_597 = arith.constant 0 : i32
    %dma_wait3A_598 = tpu.memref_slice %arg8[%dma_wait3A_596, %dma_wait3A_597] : memref<256x128xf32, #tpu.memory_space<vmem>> -> memref<8x128xf32, #tpu.memory_space<vmem>>
    %dma_wait3A_599 = tpu.memref_slice %arg2[%multiple_of3A_47, %multiple_of3A_44] : memref<512x100000xf32, #tpu.memory_space<hbm>> -> memref<8x128xf32, #tpu.memory_space<hbm>>
    %dma_wait3A_600 = arith.constant 16 : i32
    %dma_wait3A_601 = arith.constant 0 : i32
    %dma_wait3A_602 = tpu.memref_slice %arg8[%dma_wait3A_600, %dma_wait3A_601] : memref<256x128xf32, #tpu.memory_space<vmem>> -> memref<8x128xf32, #tpu.memory_space<vmem>>
    %dma_wait3A_603 = tpu.memref_slice %arg2[%multiple_of3A_47, %multiple_of3A_44] : memref<512x100000xf32, #tpu.memory_space<hbm>> -> memref<8x128xf32, #tpu.memory_space<hbm>>
    tpu.wait_dma2 semaphore(%arg13 : memref<!tpu.dma_semaphore, #tpu.memory_space<semaphore_mem>>) src(%dma_wait3A_603 : memref<8x128xf32, #tpu.memory_space<hbm>>) dst(%dma_wait3A_602 : memref<8x128xf32, #tpu.memory_space<vmem>>)
    %dma_wait3A_604 = arith.constant 24 : i32
    %dma_wait3A_605 = arith.constant 0 : i32
    %dma_wait3A_606 = tpu.memref_slice %arg8[%dma_wait3A_604, %dma_wait3A_605] : memref<256x128xf32, #tpu.memory_space<vmem>> -> memref<8x128xf32, #tpu.memory_space<vmem>>
    %dma_wait3A_607 = tpu.memref_slice %arg2[%multiple_of3A_65, %multiple_of3A_62] : memref<512x100000xf32, #tpu.memory_space<hbm>> -> memref<8x128xf32, #tpu.memory_space<hbm>>
    %dma_wait3A_608 = arith.constant 24 : i32
    %dma_wait3A_609 = arith.constant 0 : i32
    %dma_wait3A_610 = tpu.memref_slice %arg8[%dma_wait3A_608, %dma_wait3A_609] : memref<256x128xf32, #tpu.memory_space<vmem>> -> memref<8x128xf32, #tpu.memory_space<vmem>>
    %dma_wait3A_611 = tpu.memref_slice %arg2[%multiple_of3A_65, %multiple_of3A_62] : memref<512x100000xf32, #tpu.memory_space<hbm>> -> memref<8x128xf32, #tpu.memory_space<hbm>>
    tpu.wait_dma2 semaphore(%arg13 : memref<!tpu.dma_semaphore, #tpu.memory_space<semaphore_mem>>) src(%dma_wait3A_611 : memref<8x128xf32, #tpu.memory_space<hbm>>) dst(%dma_wait3A_610 : memref<8x128xf32, #tpu.memory_space<vmem>>)
    %dma_wait3A_612 = arith.constant 32 : i32
    %dma_wait3A_613 = arith.constant 0 : i32
    %dma_wait3A_614 = tpu.memref_slice %arg8[%dma_wait3A_612, %dma_wait3A_613] : memref<256x128xf32, #tpu.memory_space<vmem>> -> memref<8x128xf32, #tpu.memory_space<vmem>>
    %dma_wait3A_615 = tpu.memref_slice %arg2[%multiple_of3A_83, %multiple_of3A_80] : memref<512x100000xf32, #tpu.memory_space<hbm>> -> memref<8x128xf32, #tpu.memory_space<hbm>>
    %dma_wait3A_616 = arith.constant 32 : i32
    %dma_wait3A_617 = arith.constant 0 : i32
    %dma_wait3A_618 = tpu.memref_slice %arg8[%dma_wait3A_616, %dma_wait3A_617] : memref<256x128xf32, #tpu.memory_space<vmem>> -> memref<8x128xf32, #tpu.memory_space<vmem>>
    %dma_wait3A_619 = tpu.memref_slice %arg2[%multiple_of3A_83, %multiple_of3A_80] : memref<512x100000xf32, #tpu.memory_space<hbm>> -> memref<8x128xf32, #tpu.memory_space<hbm>>
    tpu.wait_dma2 semaphore(%arg13 : memref<!tpu.dma_semaphore, #tpu.memory_space<semaphore_mem>>) src(%dma_wait3A_619 : memref<8x128xf32, #tpu.memory_space<hbm>>) dst(%dma_wait3A_618 : memref<8x128xf32, #tpu.memory_space<vmem>>)
    %dma_wait3A_620 = arith.constant 40 : i32
    %dma_wait3A_621 = arith.constant 0 : i32
    %dma_wait3A_622 = tpu.memref_slice %arg8[%dma_wait3A_620, %dma_wait3A_621] : memref<256x128xf32, #tpu.memory_space<vmem>> -> memref<8x128xf32, #tpu.memory_space<vmem>>
    %dma_wait3A_623 = tpu.memref_slice %arg2[%multiple_of3A_101, %multiple_of3A_98] : memref<512x100000xf32, #tpu.memory_space<hbm>> -> memref<8x128xf32, #tpu.memory_space<hbm>>
    %dma_wait3A_624 = arith.constant 40 : i32
    %dma_wait3A_625 = arith.constant 0 : i32
    %dma_wait3A_626 = tpu.memref_slice %arg8[%dma_wait3A_624, %dma_wait3A_625] : memref<256x128xf32, #tpu.memory_space<vmem>> -> memref<8x128xf32, #tpu.memory_space<vmem>>
    %dma_wait3A_627 = tpu.memref_slice %arg2[%multiple_of3A_101, %multiple_of3A_98] : memref<512x100000xf32, #tpu.memory_space<hbm>> -> memref<8x128xf32, #tpu.memory_space<hbm>>
    tpu.wait_dma2 semaphore(%arg13 : memref<!tpu.dma_semaphore, #tpu.memory_space<semaphore_mem>>) src(%dma_wait3A_627 : memref<8x128xf32, #tpu.memory_space<hbm>>) dst(%dma_wait3A_626 : memref<8x128xf32, #tpu.memory_space<vmem>>)
    %dma_wait3A_628 = arith.constant 48 : i32
    %dma_wait3A_629 = arith.constant 0 : i32
    %dma_wait3A_630 = tpu.memref_slice %arg8[%dma_wait3A_628, %dma_wait3A_629] : memref<256x128xf32, #tpu.memory_space<vmem>> -> memref<8x128xf32, #tpu.memory_space<vmem>>
    %dma_wait3A_631 = tpu.memref_slice %arg2[%multiple_of3A_119, %multiple_of3A_116] : memref<512x100000xf32, #tpu.memory_space<hbm>> -> memref<8x128xf32, #tpu.memory_space<hbm>>
    %dma_wait3A_632 = arith.constant 48 : i32
    %dma_wait3A_633 = arith.constant 0 : i32
    %dma_wait3A_634 = tpu.memref_slice %arg8[%dma_wait3A_632, %dma_wait3A_633] : memref<256x128xf32, #tpu.memory_space<vmem>> -> memref<8x128xf32, #tpu.memory_space<vmem>>
    %dma_wait3A_635 = tpu.memref_slice %arg2[%multiple_of3A_119, %multiple_of3A_116] : memref<512x100000xf32, #tpu.memory_space<hbm>> -> memref<8x128xf32, #tpu.memory_space<hbm>>
    tpu.wait_dma2 semaphore(%arg13 : memref<!tpu.dma_semaphore, #tpu.memory_space<semaphore_mem>>) src(%dma_wait3A_635 : memref<8x128xf32, #tpu.memory_space<hbm>>) dst(%dma_wait3A_634 : memref<8x128xf32, #tpu.memory_space<vmem>>)
    %dma_wait3A_636 = arith.constant 56 : i32
    %dma_wait3A_637 = arith.constant 0 : i32
    %dma_wait3A_638 = tpu.memref_slice %arg8[%dma_wait3A_636, %dma_wait3A_637] : memref<256x128xf32, #tpu.memory_space<vmem>> -> memref<8x128xf32, #tpu.memory_space<vmem>>
    %dma_wait3A_639 = tpu.memref_slice %arg2[%multiple_of3A_137, %multiple_of3A_134] : memref<512x100000xf32, #tpu.memory_space<hbm>> -> memref<8x128xf32, #tpu.memory_space<hbm>>
    %dma_wait3A_640 = arith.constant 56 : i32
    %dma_wait3A_641 = arith.constant 0 : i32
    %dma_wait3A_642 = tpu.memref_slice %arg8[%dma_wait3A_640, %dma_wait3A_641] : memref<256x128xf32, #tpu.memory_space<vmem>> -> memref<8x128xf32, #tpu.memory_space<vmem>>
    %dma_wait3A_643 = tpu.memref_slice %arg2[%multiple_of3A_137, %multiple_of3A_134] : memref<512x100000xf32, #tpu.memory_space<hbm>> -> memref<8x128xf32, #tpu.memory_space<hbm>>
    tpu.wait_dma2 semaphore(%arg13 : memref<!tpu.dma_semaphore, #tpu.memory_space<semaphore_mem>>) src(%dma_wait3A_643 : memref<8x128xf32, #tpu.memory_space<hbm>>) dst(%dma_wait3A_642 : memref<8x128xf32, #tpu.memory_space<vmem>>)
    %dma_wait3A_644 = arith.constant 64 : i32
    %dma_wait3A_645 = arith.constant 0 : i32
    %dma_wait3A_646 = tpu.memref_slice %arg8[%dma_wait3A_644, %dma_wait3A_645] : memref<256x128xf32, #tpu.memory_space<vmem>> -> memref<8x128xf32, #tpu.memory_space<vmem>>
    %dma_wait3A_647 = tpu.memref_slice %arg2[%multiple_of3A_155, %multiple_of3A_152] : memref<512x100000xf32, #tpu.memory_space<hbm>> -> memref<8x128xf32, #tpu.memory_space<hbm>>
    %dma_wait3A_648 = arith.constant 64 : i32
    %dma_wait3A_649 = arith.constant 0 : i32
    %dma_wait3A_650 = tpu.memref_slice %arg8[%dma_wait3A_648, %dma_wait3A_649] : memref<256x128xf32, #tpu.memory_space<vmem>> -> memref<8x128xf32, #tpu.memory_space<vmem>>
    %dma_wait3A_651 = tpu.memref_slice %arg2[%multiple_of3A_155, %multiple_of3A_152] : memref<512x100000xf32, #tpu.memory_space<hbm>> -> memref<8x128xf32, #tpu.memory_space<hbm>>
    tpu.wait_dma2 semaphore(%arg13 : memref<!tpu.dma_semaphore, #tpu.memory_space<semaphore_mem>>) src(%dma_wait3A_651 : memref<8x128xf32, #tpu.memory_space<hbm>>) dst(%dma_wait3A_650 : memref<8x128xf32, #tpu.memory_space<vmem>>)
    %dma_wait3A_652 = arith.constant 72 : i32
    %dma_wait3A_653 = arith.constant 0 : i32
    %dma_wait3A_654 = tpu.memref_slice %arg8[%dma_wait3A_652, %dma_wait3A_653] : memref<256x128xf32, #tpu.memory_space<vmem>> -> memref<8x128xf32, #tpu.memory_space<vmem>>
    %dma_wait3A_655 = tpu.memref_slice %arg2[%multiple_of3A_173, %multiple_of3A_170] : memref<512x100000xf32, #tpu.memory_space<hbm>> -> memref<8x128xf32, #tpu.memory_space<hbm>>
    %dma_wait3A_656 = arith.constant 72 : i32
    %dma_wait3A_657 = arith.constant 0 : i32
    %dma_wait3A_658 = tpu.memref_slice %arg8[%dma_wait3A_656, %dma_wait3A_657] : memref<256x128xf32, #tpu.memory_space<vmem>> -> memref<8x128xf32, #tpu.memory_space<vmem>>
    %dma_wait3A_659 = tpu.memref_slice %arg2[%multiple_of3A_173, %multiple_of3A_170] : memref<512x100000xf32, #tpu.memory_space<hbm>> -> memref<8x128xf32, #tpu.memory_space<hbm>>
    tpu.wait_dma2 semaphore(%arg13 : memref<!tpu.dma_semaphore, #tpu.memory_space<semaphore_mem>>) src(%dma_wait3A_659 : memref<8x128xf32, #tpu.memory_space<hbm>>) dst(%dma_wait3A_658 : memref<8x128xf32, #tpu.memory_space<vmem>>)
    %dma_wait3A_660 = arith.constant 80 : i32
    %dma_wait3A_661 = arith.constant 0 : i32
    %dma_wait3A_662 = tpu.memref_slice %arg8[%dma_wait3A_660, %dma_wait3A_661] : memref<256x128xf32, #tpu.memory_space<vmem>> -> memref<8x128xf32, #tpu.memory_space<vmem>>
    %dma_wait3A_663 = tpu.memref_slice %arg2[%multiple_of3A_191, %multiple_of3A_188] : memref<512x100000xf32, #tpu.memory_space<hbm>> -> memref<8x128xf32, #tpu.memory_space<hbm>>
    %dma_wait3A_664 = arith.constant 80 : i32
    %dma_wait3A_665 = arith.constant 0 : i32
    %dma_wait3A_666 = tpu.memref_slice %arg8[%dma_wait3A_664, %dma_wait3A_665] : memref<256x128xf32, #tpu.memory_space<vmem>> -> memref<8x128xf32, #tpu.memory_space<vmem>>
    %dma_wait3A_667 = tpu.memref_slice %arg2[%multiple_of3A_191, %multiple_of3A_188] : memref<512x100000xf32, #tpu.memory_space<hbm>> -> memref<8x128xf32, #tpu.memory_space<hbm>>
    tpu.wait_dma2 semaphore(%arg13 : memref<!tpu.dma_semaphore, #tpu.memory_space<semaphore_mem>>) src(%dma_wait3A_667 : memref<8x128xf32, #tpu.memory_space<hbm>>) dst(%dma_wait3A_666 : memref<8x128xf32, #tpu.memory_space<vmem>>)
    %dma_wait3A_668 = arith.constant 88 : i32
    %dma_wait3A_669 = arith.constant 0 : i32
    %dma_wait3A_670 = tpu.memref_slice %arg8[%dma_wait3A_668, %dma_wait3A_669] : memref<256x128xf32, #tpu.memory_space<vmem>> -> memref<8x128xf32, #tpu.memory_space<vmem>>
    %dma_wait3A_671 = tpu.memref_slice %arg2[%multiple_of3A_209, %multiple_of3A_206] : memref<512x100000xf32, #tpu.memory_space<hbm>> -> memref<8x128xf32, #tpu.memory_space<hbm>>
    %dma_wait3A_672 = arith.constant 88 : i32
    %dma_wait3A_673 = arith.constant 0 : i32
    %dma_wait3A_674 = tpu.memref_slice %arg8[%dma_wait3A_672, %dma_wait3A_673] : memref<256x128xf32, #tpu.memory_space<vmem>> -> memref<8x128xf32, #tpu.memory_space<vmem>>
    %dma_wait3A_675 = tpu.memref_slice %arg2[%multiple_of3A_209, %multiple_of3A_206] : memref<512x100000xf32, #tpu.memory_space<hbm>> -> memref<8x128xf32, #tpu.memory_space<hbm>>
    tpu.wait_dma2 semaphore(%arg13 : memref<!tpu.dma_semaphore, #tpu.memory_space<semaphore_mem>>) src(%dma_wait3A_675 : memref<8x128xf32, #tpu.memory_space<hbm>>) dst(%dma_wait3A_674 : memref<8x128xf32, #tpu.memory_space<vmem>>)
    %dma_wait3A_676 = arith.constant 96 : i32
    %dma_wait3A_677 = arith.constant 0 : i32
    %dma_wait3A_678 = tpu.memref_slice %arg8[%dma_wait3A_676, %dma_wait3A_677] : memref<256x128xf32, #tpu.memory_space<vmem>> -> memref<8x128xf32, #tpu.memory_space<vmem>>
    %dma_wait3A_679 = tpu.memref_slice %arg2[%multiple_of3A_227, %multiple_of3A_224] : memref<512x100000xf32, #tpu.memory_space<hbm>> -> memref<8x128xf32, #tpu.memory_space<hbm>>
    %dma_wait3A_680 = arith.constant 96 : i32
    %dma_wait3A_681 = arith.constant 0 : i32
    %dma_wait3A_682 = tpu.memref_slice %arg8[%dma_wait3A_680, %dma_wait3A_681] : memref<256x128xf32, #tpu.memory_space<vmem>> -> memref<8x128xf32, #tpu.memory_space<vmem>>
    %dma_wait3A_683 = tpu.memref_slice %arg2[%multiple_of3A_227, %multiple_of3A_224] : memref<512x100000xf32, #tpu.memory_space<hbm>> -> memref<8x128xf32, #tpu.memory_space<hbm>>
    tpu.wait_dma2 semaphore(%arg13 : memref<!tpu.dma_semaphore, #tpu.memory_space<semaphore_mem>>) src(%dma_wait3A_683 : memref<8x128xf32, #tpu.memory_space<hbm>>) dst(%dma_wait3A_682 : memref<8x128xf32, #tpu.memory_space<vmem>>)
    %dma_wait3A_684 = arith.constant 104 : i32
    %dma_wait3A_685 = arith.constant 0 : i32
    %dma_wait3A_686 = tpu.memref_slice %arg8[%dma_wait3A_684, %dma_wait3A_685] : memref<256x128xf32, #tpu.memory_space<vmem>> -> memref<8x128xf32, #tpu.memory_space<vmem>>
    %dma_wait3A_687 = tpu.memref_slice %arg2[%multiple_of3A_245, %multiple_of3A_242] : memref<512x100000xf32, #tpu.memory_space<hbm>> -> memref<8x128xf32, #tpu.memory_space<hbm>>
    %dma_wait3A_688 = arith.constant 104 : i32
    %dma_wait3A_689 = arith.constant 0 : i32
    %dma_wait3A_690 = tpu.memref_slice %arg8[%dma_wait3A_688, %dma_wait3A_689] : memref<256x128xf32, #tpu.memory_space<vmem>> -> memref<8x128xf32, #tpu.memory_space<vmem>>
    %dma_wait3A_691 = tpu.memref_slice %arg2[%multiple_of3A_245, %multiple_of3A_242] : memref<512x100000xf32, #tpu.memory_space<hbm>> -> memref<8x128xf32, #tpu.memory_space<hbm>>
    tpu.wait_dma2 semaphore(%arg13 : memref<!tpu.dma_semaphore, #tpu.memory_space<semaphore_mem>>) src(%dma_wait3A_691 : memref<8x128xf32, #tpu.memory_space<hbm>>) dst(%dma_wait3A_690 : memref<8x128xf32, #tpu.memory_space<vmem>>)
    %dma_wait3A_692 = arith.constant 112 : i32
    %dma_wait3A_693 = arith.constant 0 : i32
    %dma_wait3A_694 = tpu.memref_slice %arg8[%dma_wait3A_692, %dma_wait3A_693] : memref<256x128xf32, #tpu.memory_space<vmem>> -> memref<8x128xf32, #tpu.memory_space<vmem>>
    %dma_wait3A_695 = tpu.memref_slice %arg2[%multiple_of3A_263, %multiple_of3A_260] : memref<512x100000xf32, #tpu.memory_space<hbm>> -> memref<8x128xf32, #tpu.memory_space<hbm>>
    %dma_wait3A_696 = arith.constant 112 : i32
    %dma_wait3A_697 = arith.constant 0 : i32
    %dma_wait3A_698 = tpu.memref_slice %arg8[%dma_wait3A_696, %dma_wait3A_697] : memref<256x128xf32, #tpu.memory_space<vmem>> -> memref<8x128xf32, #tpu.memory_space<vmem>>
    %dma_wait3A_699 = tpu.memref_slice %arg2[%multiple_of3A_263, %multiple_of3A_260] : memref<512x100000xf32, #tpu.memory_space<hbm>> -> memref<8x128xf32, #tpu.memory_space<hbm>>
    tpu.wait_dma2 semaphore(%arg13 : memref<!tpu.dma_semaphore, #tpu.memory_space<semaphore_mem>>) src(%dma_wait3A_699 : memref<8x128xf32, #tpu.memory_space<hbm>>) dst(%dma_wait3A_698 : memref<8x128xf32, #tpu.memory_space<vmem>>)
    %dma_wait3A_700 = arith.constant 120 : i32
    %dma_wait3A_701 = arith.constant 0 : i32
    %dma_wait3A_702 = tpu.memref_slice %arg8[%dma_wait3A_700, %dma_wait3A_701] : memref<256x128xf32, #tpu.memory_space<vmem>> -> memref<8x128xf32, #tpu.memory_space<vmem>>
    %dma_wait3A_703 = tpu.memref_slice %arg2[%multiple_of3A_281, %multiple_of3A_278] : memref<512x100000xf32, #tpu.memory_space<hbm>> -> memref<8x128xf32, #tpu.memory_space<hbm>>
    %dma_wait3A_704 = arith.constant 120 : i32
    %dma_wait3A_705 = arith.constant 0 : i32
    %dma_wait3A_706 = tpu.memref_slice %arg8[%dma_wait3A_704, %dma_wait3A_705] : memref<256x128xf32, #tpu.memory_space<vmem>> -> memref<8x128xf32, #tpu.memory_space<vmem>>
    %dma_wait3A_707 = tpu.memref_slice %arg2[%multiple_of3A_281, %multiple_of3A_278] : memref<512x100000xf32, #tpu.memory_space<hbm>> -> memref<8x128xf32, #tpu.memory_space<hbm>>
    tpu.wait_dma2 semaphore(%arg13 : memref<!tpu.dma_semaphore, #tpu.memory_space<semaphore_mem>>) src(%dma_wait3A_707 : memref<8x128xf32, #tpu.memory_space<hbm>>) dst(%dma_wait3A_706 : memref<8x128xf32, #tpu.memory_space<vmem>>)
    %dma_wait3A_708 = arith.constant 128 : i32
    %dma_wait3A_709 = arith.constant 0 : i32
    %dma_wait3A_710 = tpu.memref_slice %arg8[%dma_wait3A_708, %dma_wait3A_709] : memref<256x128xf32, #tpu.memory_space<vmem>> -> memref<8x128xf32, #tpu.memory_space<vmem>>
    %dma_wait3A_711 = tpu.memref_slice %arg2[%multiple_of3A_299, %multiple_of3A_296] : memref<512x100000xf32, #tpu.memory_space<hbm>> -> memref<8x128xf32, #tpu.memory_space<hbm>>
    %dma_wait3A_712 = arith.constant 128 : i32
    %dma_wait3A_713 = arith.constant 0 : i32
    %dma_wait3A_714 = tpu.memref_slice %arg8[%dma_wait3A_712, %dma_wait3A_713] : memref<256x128xf32, #tpu.memory_space<vmem>> -> memref<8x128xf32, #tpu.memory_space<vmem>>
    %dma_wait3A_715 = tpu.memref_slice %arg2[%multiple_of3A_299, %multiple_of3A_296] : memref<512x100000xf32, #tpu.memory_space<hbm>> -> memref<8x128xf32, #tpu.memory_space<hbm>>
    tpu.wait_dma2 semaphore(%arg13 : memref<!tpu.dma_semaphore, #tpu.memory_space<semaphore_mem>>) src(%dma_wait3A_715 : memref<8x128xf32, #tpu.memory_space<hbm>>) dst(%dma_wait3A_714 : memref<8x128xf32, #tpu.memory_space<vmem>>)
    %dma_wait3A_716 = arith.constant 136 : i32
    %dma_wait3A_717 = arith.constant 0 : i32
    %dma_wait3A_718 = tpu.memref_slice %arg8[%dma_wait3A_716, %dma_wait3A_717] : memref<256x128xf32, #tpu.memory_space<vmem>> -> memref<8x128xf32, #tpu.memory_space<vmem>>
    %dma_wait3A_719 = tpu.memref_slice %arg2[%multiple_of3A_317, %multiple_of3A_314] : memref<512x100000xf32, #tpu.memory_space<hbm>> -> memref<8x128xf32, #tpu.memory_space<hbm>>
    %dma_wait3A_720 = arith.constant 136 : i32
    %dma_wait3A_721 = arith.constant 0 : i32
    %dma_wait3A_722 = tpu.memref_slice %arg8[%dma_wait3A_720, %dma_wait3A_721] : memref<256x128xf32, #tpu.memory_space<vmem>> -> memref<8x128xf32, #tpu.memory_space<vmem>>
    %dma_wait3A_723 = tpu.memref_slice %arg2[%multiple_of3A_317, %multiple_of3A_314] : memref<512x100000xf32, #tpu.memory_space<hbm>> -> memref<8x128xf32, #tpu.memory_space<hbm>>
    tpu.wait_dma2 semaphore(%arg13 : memref<!tpu.dma_semaphore, #tpu.memory_space<semaphore_mem>>) src(%dma_wait3A_723 : memref<8x128xf32, #tpu.memory_space<hbm>>) dst(%dma_wait3A_722 : memref<8x128xf32, #tpu.memory_space<vmem>>)
    %dma_wait3A_724 = arith.constant 144 : i32
    %dma_wait3A_725 = arith.constant 0 : i32
    %dma_wait3A_726 = tpu.memref_slice %arg8[%dma_wait3A_724, %dma_wait3A_725] : memref<256x128xf32, #tpu.memory_space<vmem>> -> memref<8x128xf32, #tpu.memory_space<vmem>>
    %dma_wait3A_727 = tpu.memref_slice %arg2[%multiple_of3A_335, %multiple_of3A_332] : memref<512x100000xf32, #tpu.memory_space<hbm>> -> memref<8x128xf32, #tpu.memory_space<hbm>>
    %dma_wait3A_728 = arith.constant 144 : i32
    %dma_wait3A_729 = arith.constant 0 : i32
    %dma_wait3A_730 = tpu.memref_slice %arg8[%dma_wait3A_728, %dma_wait3A_729] : memref<256x128xf32, #tpu.memory_space<vmem>> -> memref<8x128xf32, #tpu.memory_space<vmem>>
    %dma_wait3A_731 = tpu.memref_slice %arg2[%multiple_of3A_335, %multiple_of3A_332] : memref<512x100000xf32, #tpu.memory_space<hbm>> -> memref<8x128xf32, #tpu.memory_space<hbm>>
    tpu.wait_dma2 semaphore(%arg13 : memref<!tpu.dma_semaphore, #tpu.memory_space<semaphore_mem>>) src(%dma_wait3A_731 : memref<8x128xf32, #tpu.memory_space<hbm>>) dst(%dma_wait3A_730 : memref<8x128xf32, #tpu.memory_space<vmem>>)
    %dma_wait3A_732 = arith.constant 152 : i32
    %dma_wait3A_733 = arith.constant 0 : i32
    %dma_wait3A_734 = tpu.memref_slice %arg8[%dma_wait3A_732, %dma_wait3A_733] : memref<256x128xf32, #tpu.memory_space<vmem>> -> memref<8x128xf32, #tpu.memory_space<vmem>>
    %dma_wait3A_735 = tpu.memref_slice %arg2[%multiple_of3A_353, %multiple_of3A_350] : memref<512x100000xf32, #tpu.memory_space<hbm>> -> memref<8x128xf32, #tpu.memory_space<hbm>>
    %dma_wait3A_736 = arith.constant 152 : i32
    %dma_wait3A_737 = arith.constant 0 : i32
    %dma_wait3A_738 = tpu.memref_slice %arg8[%dma_wait3A_736, %dma_wait3A_737] : memref<256x128xf32, #tpu.memory_space<vmem>> -> memref<8x128xf32, #tpu.memory_space<vmem>>
    %dma_wait3A_739 = tpu.memref_slice %arg2[%multiple_of3A_353, %multiple_of3A_350] : memref<512x100000xf32, #tpu.memory_space<hbm>> -> memref<8x128xf32, #tpu.memory_space<hbm>>
    tpu.wait_dma2 semaphore(%arg13 : memref<!tpu.dma_semaphore, #tpu.memory_space<semaphore_mem>>) src(%dma_wait3A_739 : memref<8x128xf32, #tpu.memory_space<hbm>>) dst(%dma_wait3A_738 : memref<8x128xf32, #tpu.memory_space<vmem>>)
    %dma_wait3A_740 = arith.constant 160 : i32
    %dma_wait3A_741 = arith.constant 0 : i32
    %dma_wait3A_742 = tpu.memref_slice %arg8[%dma_wait3A_740, %dma_wait3A_741] : memref<256x128xf32, #tpu.memory_space<vmem>> -> memref<8x128xf32, #tpu.memory_space<vmem>>
    %dma_wait3A_743 = tpu.memref_slice %arg2[%multiple_of3A_371, %multiple_of3A_368] : memref<512x100000xf32, #tpu.memory_space<hbm>> -> memref<8x128xf32, #tpu.memory_space<hbm>>
    %dma_wait3A_744 = arith.constant 160 : i32
    %dma_wait3A_745 = arith.constant 0 : i32
    %dma_wait3A_746 = tpu.memref_slice %arg8[%dma_wait3A_744, %dma_wait3A_745] : memref<256x128xf32, #tpu.memory_space<vmem>> -> memref<8x128xf32, #tpu.memory_space<vmem>>
    %dma_wait3A_747 = tpu.memref_slice %arg2[%multiple_of3A_371, %multiple_of3A_368] : memref<512x100000xf32, #tpu.memory_space<hbm>> -> memref<8x128xf32, #tpu.memory_space<hbm>>
    tpu.wait_dma2 semaphore(%arg13 : memref<!tpu.dma_semaphore, #tpu.memory_space<semaphore_mem>>) src(%dma_wait3A_747 : memref<8x128xf32, #tpu.memory_space<hbm>>) dst(%dma_wait3A_746 : memref<8x128xf32, #tpu.memory_space<vmem>>)
    %dma_wait3A_748 = arith.constant 168 : i32
    %dma_wait3A_749 = arith.constant 0 : i32
    %dma_wait3A_750 = tpu.memref_slice %arg8[%dma_wait3A_748, %dma_wait3A_749] : memref<256x128xf32, #tpu.memory_space<vmem>> -> memref<8x128xf32, #tpu.memory_space<vmem>>
    %dma_wait3A_751 = tpu.memref_slice %arg2[%multiple_of3A_389, %multiple_of3A_386] : memref<512x100000xf32, #tpu.memory_space<hbm>> -> memref<8x128xf32, #tpu.memory_space<hbm>>
    %dma_wait3A_752 = arith.constant 168 : i32
    %dma_wait3A_753 = arith.constant 0 : i32
    %dma_wait3A_754 = tpu.memref_slice %arg8[%dma_wait3A_752, %dma_wait3A_753] : memref<256x128xf32, #tpu.memory_space<vmem>> -> memref<8x128xf32, #tpu.memory_space<vmem>>
    %dma_wait3A_755 = tpu.memref_slice %arg2[%multiple_of3A_389, %multiple_of3A_386] : memref<512x100000xf32, #tpu.memory_space<hbm>> -> memref<8x128xf32, #tpu.memory_space<hbm>>
    tpu.wait_dma2 semaphore(%arg13 : memref<!tpu.dma_semaphore, #tpu.memory_space<semaphore_mem>>) src(%dma_wait3A_755 : memref<8x128xf32, #tpu.memory_space<hbm>>) dst(%dma_wait3A_754 : memref<8x128xf32, #tpu.memory_space<vmem>>)
    %dma_wait3A_756 = arith.constant 176 : i32
    %dma_wait3A_757 = arith.constant 0 : i32
    %dma_wait3A_758 = tpu.memref_slice %arg8[%dma_wait3A_756, %dma_wait3A_757] : memref<256x128xf32, #tpu.memory_space<vmem>> -> memref<8x128xf32, #tpu.memory_space<vmem>>
    %dma_wait3A_759 = tpu.memref_slice %arg2[%multiple_of3A_407, %multiple_of3A_404] : memref<512x100000xf32, #tpu.memory_space<hbm>> -> memref<8x128xf32, #tpu.memory_space<hbm>>
    %dma_wait3A_760 = arith.constant 176 : i32
    %dma_wait3A_761 = arith.constant 0 : i32
    %dma_wait3A_762 = tpu.memref_slice %arg8[%dma_wait3A_760, %dma_wait3A_761] : memref<256x128xf32, #tpu.memory_space<vmem>> -> memref<8x128xf32, #tpu.memory_space<vmem>>
    %dma_wait3A_763 = tpu.memref_slice %arg2[%multiple_of3A_407, %multiple_of3A_404] : memref<512x100000xf32, #tpu.memory_space<hbm>> -> memref<8x128xf32, #tpu.memory_space<hbm>>
    tpu.wait_dma2 semaphore(%arg13 : memref<!tpu.dma_semaphore, #tpu.memory_space<semaphore_mem>>) src(%dma_wait3A_763 : memref<8x128xf32, #tpu.memory_space<hbm>>) dst(%dma_wait3A_762 : memref<8x128xf32, #tpu.memory_space<vmem>>)
    %dma_wait3A_764 = arith.constant 184 : i32
    %dma_wait3A_765 = arith.constant 0 : i32
    %dma_wait3A_766 = tpu.memref_slice %arg8[%dma_wait3A_764, %dma_wait3A_765] : memref<256x128xf32, #tpu.memory_space<vmem>> -> memref<8x128xf32, #tpu.memory_space<vmem>>
    %dma_wait3A_767 = tpu.memref_slice %arg2[%multiple_of3A_425, %multiple_of3A_422] : memref<512x100000xf32, #tpu.memory_space<hbm>> -> memref<8x128xf32, #tpu.memory_space<hbm>>
    %dma_wait3A_768 = arith.constant 184 : i32
    %dma_wait3A_769 = arith.constant 0 : i32
    %dma_wait3A_770 = tpu.memref_slice %arg8[%dma_wait3A_768, %dma_wait3A_769] : memref<256x128xf32, #tpu.memory_space<vmem>> -> memref<8x128xf32, #tpu.memory_space<vmem>>
    %dma_wait3A_771 = tpu.memref_slice %arg2[%multiple_of3A_425, %multiple_of3A_422] : memref<512x100000xf32, #tpu.memory_space<hbm>> -> memref<8x128xf32, #tpu.memory_space<hbm>>
    tpu.wait_dma2 semaphore(%arg13 : memref<!tpu.dma_semaphore, #tpu.memory_space<semaphore_mem>>) src(%dma_wait3A_771 : memref<8x128xf32, #tpu.memory_space<hbm>>) dst(%dma_wait3A_770 : memref<8x128xf32, #tpu.memory_space<vmem>>)
    %dma_wait3A_772 = arith.constant 192 : i32
    %dma_wait3A_773 = arith.constant 0 : i32
    %dma_wait3A_774 = tpu.memref_slice %arg8[%dma_wait3A_772, %dma_wait3A_773] : memref<256x128xf32, #tpu.memory_space<vmem>> -> memref<8x128xf32, #tpu.memory_space<vmem>>
    %dma_wait3A_775 = tpu.memref_slice %arg2[%multiple_of3A_443, %multiple_of3A_440] : memref<512x100000xf32, #tpu.memory_space<hbm>> -> memref<8x128xf32, #tpu.memory_space<hbm>>
    %dma_wait3A_776 = arith.constant 192 : i32
    %dma_wait3A_777 = arith.constant 0 : i32
    %dma_wait3A_778 = tpu.memref_slice %arg8[%dma_wait3A_776, %dma_wait3A_777] : memref<256x128xf32, #tpu.memory_space<vmem>> -> memref<8x128xf32, #tpu.memory_space<vmem>>
    %dma_wait3A_779 = tpu.memref_slice %arg2[%multiple_of3A_443, %multiple_of3A_440] : memref<512x100000xf32, #tpu.memory_space<hbm>> -> memref<8x128xf32, #tpu.memory_space<hbm>>
    tpu.wait_dma2 semaphore(%arg13 : memref<!tpu.dma_semaphore, #tpu.memory_space<semaphore_mem>>) src(%dma_wait3A_779 : memref<8x128xf32, #tpu.memory_space<hbm>>) dst(%dma_wait3A_778 : memref<8x128xf32, #tpu.memory_space<vmem>>)
    %dma_wait3A_780 = arith.constant 200 : i32
    %dma_wait3A_781 = arith.constant 0 : i32
    %dma_wait3A_782 = tpu.memref_slice %arg8[%dma_wait3A_780, %dma_wait3A_781] : memref<256x128xf32, #tpu.memory_space<vmem>> -> memref<8x128xf32, #tpu.memory_space<vmem>>
    %dma_wait3A_783 = tpu.memref_slice %arg2[%multiple_of3A_461, %multiple_of3A_458] : memref<512x100000xf32, #tpu.memory_space<hbm>> -> memref<8x128xf32, #tpu.memory_space<hbm>>
    %dma_wait3A_784 = arith.constant 200 : i32
    %dma_wait3A_785 = arith.constant 0 : i32
    %dma_wait3A_786 = tpu.memref_slice %arg8[%dma_wait3A_784, %dma_wait3A_785] : memref<256x128xf32, #tpu.memory_space<vmem>> -> memref<8x128xf32, #tpu.memory_space<vmem>>
    %dma_wait3A_787 = tpu.memref_slice %arg2[%multiple_of3A_461, %multiple_of3A_458] : memref<512x100000xf32, #tpu.memory_space<hbm>> -> memref<8x128xf32, #tpu.memory_space<hbm>>
    tpu.wait_dma2 semaphore(%arg13 : memref<!tpu.dma_semaphore, #tpu.memory_space<semaphore_mem>>) src(%dma_wait3A_787 : memref<8x128xf32, #tpu.memory_space<hbm>>) dst(%dma_wait3A_786 : memref<8x128xf32, #tpu.memory_space<vmem>>)
    %dma_wait3A_788 = arith.constant 208 : i32
    %dma_wait3A_789 = arith.constant 0 : i32
    %dma_wait3A_790 = tpu.memref_slice %arg8[%dma_wait3A_788, %dma_wait3A_789] : memref<256x128xf32, #tpu.memory_space<vmem>> -> memref<8x128xf32, #tpu.memory_space<vmem>>
    %dma_wait3A_791 = tpu.memref_slice %arg2[%multiple_of3A_479, %multiple_of3A_476] : memref<512x100000xf32, #tpu.memory_space<hbm>> -> memref<8x128xf32, #tpu.memory_space<hbm>>
    %dma_wait3A_792 = arith.constant 208 : i32
    %dma_wait3A_793 = arith.constant 0 : i32
    %dma_wait3A_794 = tpu.memref_slice %arg8[%dma_wait3A_792, %dma_wait3A_793] : memref<256x128xf32, #tpu.memory_space<vmem>> -> memref<8x128xf32, #tpu.memory_space<vmem>>
    %dma_wait3A_795 = tpu.memref_slice %arg2[%multiple_of3A_479, %multiple_of3A_476] : memref<512x100000xf32, #tpu.memory_space<hbm>> -> memref<8x128xf32, #tpu.memory_space<hbm>>
    tpu.wait_dma2 semaphore(%arg13 : memref<!tpu.dma_semaphore, #tpu.memory_space<semaphore_mem>>) src(%dma_wait3A_795 : memref<8x128xf32, #tpu.memory_space<hbm>>) dst(%dma_wait3A_794 : memref<8x128xf32, #tpu.memory_space<vmem>>)
    %dma_wait3A_796 = arith.constant 216 : i32
    %dma_wait3A_797 = arith.constant 0 : i32
    %dma_wait3A_798 = tpu.memref_slice %arg8[%dma_wait3A_796, %dma_wait3A_797] : memref<256x128xf32, #tpu.memory_space<vmem>> -> memref<8x128xf32, #tpu.memory_space<vmem>>
    %dma_wait3A_799 = tpu.memref_slice %arg2[%multiple_of3A_497, %multiple_of3A_494] : memref<512x100000xf32, #tpu.memory_space<hbm>> -> memref<8x128xf32, #tpu.memory_space<hbm>>
    %dma_wait3A_800 = arith.constant 216 : i32
    %dma_wait3A_801 = arith.constant 0 : i32
    %dma_wait3A_802 = tpu.memref_slice %arg8[%dma_wait3A_800, %dma_wait3A_801] : memref<256x128xf32, #tpu.memory_space<vmem>> -> memref<8x128xf32, #tpu.memory_space<vmem>>
    %dma_wait3A_803 = tpu.memref_slice %arg2[%multiple_of3A_497, %multiple_of3A_494] : memref<512x100000xf32, #tpu.memory_space<hbm>> -> memref<8x128xf32, #tpu.memory_space<hbm>>
    tpu.wait_dma2 semaphore(%arg13 : memref<!tpu.dma_semaphore, #tpu.memory_space<semaphore_mem>>) src(%dma_wait3A_803 : memref<8x128xf32, #tpu.memory_space<hbm>>) dst(%dma_wait3A_802 : memref<8x128xf32, #tpu.memory_space<vmem>>)
    %dma_wait3A_804 = arith.constant 224 : i32
    %dma_wait3A_805 = arith.constant 0 : i32
    %dma_wait3A_806 = tpu.memref_slice %arg8[%dma_wait3A_804, %dma_wait3A_805] : memref<256x128xf32, #tpu.memory_space<vmem>> -> memref<8x128xf32, #tpu.memory_space<vmem>>
    %dma_wait3A_807 = tpu.memref_slice %arg2[%multiple_of3A_515, %multiple_of3A_512] : memref<512x100000xf32, #tpu.memory_space<hbm>> -> memref<8x128xf32, #tpu.memory_space<hbm>>
    %dma_wait3A_808 = arith.constant 224 : i32
    %dma_wait3A_809 = arith.constant 0 : i32
    %dma_wait3A_810 = tpu.memref_slice %arg8[%dma_wait3A_808, %dma_wait3A_809] : memref<256x128xf32, #tpu.memory_space<vmem>> -> memref<8x128xf32, #tpu.memory_space<vmem>>
    %dma_wait3A_811 = tpu.memref_slice %arg2[%multiple_of3A_515, %multiple_of3A_512] : memref<512x100000xf32, #tpu.memory_space<hbm>> -> memref<8x128xf32, #tpu.memory_space<hbm>>
    tpu.wait_dma2 semaphore(%arg13 : memref<!tpu.dma_semaphore, #tpu.memory_space<semaphore_mem>>) src(%dma_wait3A_811 : memref<8x128xf32, #tpu.memory_space<hbm>>) dst(%dma_wait3A_810 : memref<8x128xf32, #tpu.memory_space<vmem>>)
    %dma_wait3A_812 = arith.constant 232 : i32
    %dma_wait3A_813 = arith.constant 0 : i32
    %dma_wait3A_814 = tpu.memref_slice %arg8[%dma_wait3A_812, %dma_wait3A_813] : memref<256x128xf32, #tpu.memory_space<vmem>> -> memref<8x128xf32, #tpu.memory_space<vmem>>
    %dma_wait3A_815 = tpu.memref_slice %arg2[%multiple_of3A_533, %multiple_of3A_530] : memref<512x100000xf32, #tpu.memory_space<hbm>> -> memref<8x128xf32, #tpu.memory_space<hbm>>
    %dma_wait3A_816 = arith.constant 232 : i32
    %dma_wait3A_817 = arith.constant 0 : i32
    %dma_wait3A_818 = tpu.memref_slice %arg8[%dma_wait3A_816, %dma_wait3A_817] : memref<256x128xf32, #tpu.memory_space<vmem>> -> memref<8x128xf32, #tpu.memory_space<vmem>>
    %dma_wait3A_819 = tpu.memref_slice %arg2[%multiple_of3A_533, %multiple_of3A_530] : memref<512x100000xf32, #tpu.memory_space<hbm>> -> memref<8x128xf32, #tpu.memory_space<hbm>>
    tpu.wait_dma2 semaphore(%arg13 : memref<!tpu.dma_semaphore, #tpu.memory_space<semaphore_mem>>) src(%dma_wait3A_819 : memref<8x128xf32, #tpu.memory_space<hbm>>) dst(%dma_wait3A_818 : memref<8x128xf32, #tpu.memory_space<vmem>>)
    %dma_wait3A_820 = arith.constant 240 : i32
    %dma_wait3A_821 = arith.constant 0 : i32
    %dma_wait3A_822 = tpu.memref_slice %arg8[%dma_wait3A_820, %dma_wait3A_821] : memref<256x128xf32, #tpu.memory_space<vmem>> -> memref<8x128xf32, #tpu.memory_space<vmem>>
    %dma_wait3A_823 = tpu.memref_slice %arg2[%multiple_of3A_551, %multiple_of3A_548] : memref<512x100000xf32, #tpu.memory_space<hbm>> -> memref<8x128xf32, #tpu.memory_space<hbm>>
    %dma_wait3A_824 = arith.constant 240 : i32
    %dma_wait3A_825 = arith.constant 0 : i32
    %dma_wait3A_826 = tpu.memref_slice %arg8[%dma_wait3A_824, %dma_wait3A_825] : memref<256x128xf32, #tpu.memory_space<vmem>> -> memref<8x128xf32, #tpu.memory_space<vmem>>
    %dma_wait3A_827 = tpu.memref_slice %arg2[%multiple_of3A_551, %multiple_of3A_548] : memref<512x100000xf32, #tpu.memory_space<hbm>> -> memref<8x128xf32, #tpu.memory_space<hbm>>
    tpu.wait_dma2 semaphore(%arg13 : memref<!tpu.dma_semaphore, #tpu.memory_space<semaphore_mem>>) src(%dma_wait3A_827 : memref<8x128xf32, #tpu.memory_space<hbm>>) dst(%dma_wait3A_826 : memref<8x128xf32, #tpu.memory_space<vmem>>)
    %dma_wait3A_828 = arith.constant 248 : i32
    %dma_wait3A_829 = arith.constant 0 : i32
    %dma_wait3A_830 = tpu.memref_slice %arg8[%dma_wait3A_828, %dma_wait3A_829] : memref<256x128xf32, #tpu.memory_space<vmem>> -> memref<8x128xf32, #tpu.memory_space<vmem>>
    %dma_wait3A_831 = tpu.memref_slice %arg2[%multiple_of3A_569, %multiple_of3A_566] : memref<512x100000xf32, #tpu.memory_space<hbm>> -> memref<8x128xf32, #tpu.memory_space<hbm>>
    %dma_wait3A_832 = arith.constant 248 : i32
    %dma_wait3A_833 = arith.constant 0 : i32
    %dma_wait3A_834 = tpu.memref_slice %arg8[%dma_wait3A_832, %dma_wait3A_833] : memref<256x128xf32, #tpu.memory_space<vmem>> -> memref<8x128xf32, #tpu.memory_space<vmem>>
    %dma_wait3A_835 = tpu.memref_slice %arg2[%multiple_of3A_569, %multiple_of3A_566] : memref<512x100000xf32, #tpu.memory_space<hbm>> -> memref<8x128xf32, #tpu.memory_space<hbm>>
    tpu.wait_dma2 semaphore(%arg13 : memref<!tpu.dma_semaphore, #tpu.memory_space<semaphore_mem>>) src(%dma_wait3A_835 : memref<8x128xf32, #tpu.memory_space<hbm>>) dst(%dma_wait3A_834 : memref<8x128xf32, #tpu.memory_space<vmem>>)
    %broadcast_in_dim3A = arith.constant 0.000000e+00 : f32
    %broadcast_in_dim3A_836 = vector.broadcast %broadcast_in_dim3A : f32 to vector<16xf32>
    %iota3A = tpu.iota {dimensions = array<i32: 0>} : vector<16xi32>
    %and3A = arith.constant 7 : i32
    %and3A_837 = vector.broadcast %and3A : i32 to vector<16xi32>
    %and3A_838 = arith.andi %iota3A, %and3A_837 : vector<16xi32>
    %iota3A_839 = tpu.iota {dimensions = array<i32: 0>} : vector<16xi32>
    %add3A_840 = arith.constant 0 : i32
    %add3A_841 = vector.broadcast %add3A_840 : i32 to vector<16xi32>
    %add3A_842 = arith.addi %add3A_841, %iota3A_839 : vector<16xi32>
    %mul3A_843 = arith.constant 8 : i32
    %mul3A_844 = vector.broadcast %mul3A_843 : i32 to vector<16xi32>
    %mul3A_845 = arith.muli %add3A_842, %mul3A_844 : vector<16xi32>
    %add3A_846 = arith.addi %mul3A_845, %and3A_838 : vector<16xi32>
    %and3A_847 = arith.constant 127 : i32
    %and3A_848 = vector.broadcast %and3A_847 : i32 to vector<16xi32>
    %and3A_849 = arith.andi %get3A_5, %and3A_848 : vector<16xi32>
    %gather3A = tpu.vector_load_idx %arg8[%add3A_846, %and3A_849] : memref<256x128xf32, #tpu.memory_space<vmem>>[vector<16xi32>, vector<16xi32>], vector<16xf32>,
    %get3A_850 = arith.constant 0 : index
    %get3A_851 = tpu.vector_load %arg7[%get3A_850] {strides = array<i32>} : memref<32xf32, #tpu.memory_space<vmem>>, vector<16xf32>,
    %mul3A_852 = arith.mulf %gather3A, %get3A_851 : vector<16xf32>
    %sub3A = arith.subf %broadcast_in_dim3A_836, %mul3A_852 : vector<16xf32>
    %iota3A_853 = tpu.iota {dimensions = array<i32: 0>} : vector<16xi32>
    %add3A_854 = arith.constant 16 : i32
    %add3A_855 = vector.broadcast %add3A_854 : i32 to vector<16xi32>
    %add3A_856 = arith.addi %add3A_855, %iota3A_853 : vector<16xi32>
    %mul3A_857 = arith.constant 8 : i32
    %mul3A_858 = vector.broadcast %mul3A_857 : i32 to vector<16xi32>
    %mul3A_859 = arith.muli %add3A_856, %mul3A_858 : vector<16xi32>
    %add3A_860 = arith.addi %mul3A_859, %and3A_838 : vector<16xi32>
    %and3A_861 = arith.constant 127 : i32
    %and3A_862 = vector.broadcast %and3A_861 : i32 to vector<16xi32>
    %and3A_863 = arith.andi %get3A_7, %and3A_862 : vector<16xi32>
    %gather3A_864 = tpu.vector_load_idx %arg8[%add3A_860, %and3A_863] : memref<256x128xf32, #tpu.memory_space<vmem>>[vector<16xi32>, vector<16xi32>], vector<16xf32>,
    %get3A_865 = arith.constant 16 : index
    %get3A_866 = tpu.vector_load %arg7[%get3A_865] {strides = array<i32>} : memref<32xf32, #tpu.memory_space<vmem>>, vector<16xf32>,
    %mul3A_867 = arith.mulf %gather3A_864, %get3A_866 : vector<16xf32>
    %sub3A_868 = arith.subf %sub3A, %mul3A_867 : vector<16xf32>
    %swap3A = arith.constant 0 : index
    %swap3A_869 = tpu.vector_load %arg9[%swap3A] {strides = array<i32>} : memref<16xf32, #tpu.memory_space<vmem>>, vector<16xf32>,
    tpu.vector_store %arg9[%swap3A], %sub3A_868 {strides = array<i32>} : memref<16xf32, #tpu.memory_space<vmem>>, vector<16xf32>,
    %add3A_870 = arith.constant 64 : i32
    %add3A_871 = arith.addi %add3A_870, %arg1 : i32
    "tpu.region"() ({
      %run_scoped3A = tpu.sem_alloc : memref<!tpu.dma_semaphore, #tpu.memory_space<semaphore_mem>>
      %dma_start3A_874 = arith.constant 0 : i32
      %dma_start3A_875 = tpu.memref_slice %arg12[%add3A_871, %dma_start3A_874] : memref<80x16xf32, #tpu.memory_space<vmem_shared>> -> memref<1x16xf32, #tpu.memory_space<vmem_shared>>
      %dma_start3A_876 = tpu.memref_squeeze %dma_start3A_875 : memref<1x16xf32, #tpu.memory_space<vmem_shared>> -> memref<16xf32, #tpu.memory_space<vmem_shared>>
      %dma_start3A_877 = arith.constant 0 : i32
      %dma_start3A_878 = tpu.memref_slice %arg12[%add3A_871, %dma_start3A_877] : memref<80x16xf32, #tpu.memory_space<vmem_shared>> -> memref<1x16xf32, #tpu.memory_space<vmem_shared>>
      %dma_start3A_879 = tpu.memref_squeeze %dma_start3A_878 : memref<1x16xf32, #tpu.memory_space<vmem_shared>> -> memref<16xf32, #tpu.memory_space<vmem_shared>>
      tpu.enqueue_dma source(%arg9 : memref<16xf32, #tpu.memory_space<vmem>>) target(%dma_start3A_879 : memref<16xf32, #tpu.memory_space<vmem_shared>>) target_semaphore(%run_scoped3A : memref<!tpu.dma_semaphore, #tpu.memory_space<semaphore_mem>>)
      %dma_wait3A_880 = arith.constant 0 : i32
      %dma_wait3A_881 = tpu.memref_slice %arg12[%add3A_871, %dma_wait3A_880] : memref<80x16xf32, #tpu.memory_space<vmem_shared>> -> memref<1x16xf32, #tpu.memory_space<vmem_shared>>
      %dma_wait3A_882 = tpu.memref_squeeze %dma_wait3A_881 : memref<1x16xf32, #tpu.memory_space<vmem_shared>> -> memref<16xf32, #tpu.memory_space<vmem_shared>>
      %dma_wait3A_883 = arith.constant 0 : i32
      %dma_wait3A_884 = tpu.memref_slice %arg12[%add3A_871, %dma_wait3A_883] : memref<80x16xf32, #tpu.memory_space<vmem_shared>> -> memref<1x16xf32, #tpu.memory_space<vmem_shared>>
      %dma_wait3A_885 = tpu.memref_squeeze %dma_wait3A_884 : memref<1x16xf32, #tpu.memory_space<vmem_shared>> -> memref<16xf32, #tpu.memory_space<vmem_shared>>
      tpu.wait_dma2 semaphore(%run_scoped3A : memref<!tpu.dma_semaphore, #tpu.memory_space<semaphore_mem>>) src(%arg9 : memref<16xf32, #tpu.memory_space<vmem>>) dst(%dma_wait3A_885 : memref<16xf32, #tpu.memory_space<vmem_shared>>)
      tpu.yield
    }) : () -> ()
    %barrier3A = arith.constant 0 : index
    tpu.barrier barrier_id(%barrier3A)
    %eq3A = arith.constant 0 : i32
    %eq3A_872 = arith.cmpi eq, %arg1, %eq3A : i32
    %convert_element_type3A = arith.extui %eq3A_872 : i1 to i32
    %cond3A = arith.constant 0 : i32
    %cond3A_873 = arith.cmpi ne, %convert_element_type3A, %cond3A : i32
    scf.if %cond3A_873 {
      "tpu.region"() ({
        %run_scoped3A = tpu.sem_alloc : memref<!tpu.dma_semaphore, #tpu.memory_space<semaphore_mem>>
        %dma_start3A_962 = arith.constant 64 : i32
        %dma_start3A_963 = arith.constant 0 : i32
        %dma_start3A_964 = tpu.memref_slice %arg12[%dma_start3A_962, %dma_start3A_963] : memref<80x16xf32, #tpu.memory_space<vmem_shared>> -> memref<16x16xf32, #tpu.memory_space<vmem_shared>>
        %dma_start3A_965 = arith.constant 64 : i32
        %dma_start3A_966 = arith.constant 0 : i32
        %dma_start3A_967 = tpu.memref_slice %arg12[%dma_start3A_965, %dma_start3A_966] : memref<80x16xf32, #tpu.memory_space<vmem_shared>> -> memref<16x16xf32, #tpu.memory_space<vmem_shared>>
        tpu.enqueue_dma source(%dma_start3A_967 : memref<16x16xf32, #tpu.memory_space<vmem_shared>>) target(%arg10 : memref<16x16xf32, #tpu.memory_space<vmem>>) target_semaphore(%run_scoped3A : memref<!tpu.dma_semaphore, #tpu.memory_space<semaphore_mem>>)
        %dma_wait3A_968 = arith.constant 64 : i32
        %dma_wait3A_969 = arith.constant 0 : i32
        %dma_wait3A_970 = tpu.memref_slice %arg12[%dma_wait3A_968, %dma_wait3A_969] : memref<80x16xf32, #tpu.memory_space<vmem_shared>> -> memref<16x16xf32, #tpu.memory_space<vmem_shared>>
        %dma_wait3A_971 = arith.constant 64 : i32
        %dma_wait3A_972 = arith.constant 0 : i32
        %dma_wait3A_973 = tpu.memref_slice %arg12[%dma_wait3A_971, %dma_wait3A_972] : memref<80x16xf32, #tpu.memory_space<vmem_shared>> -> memref<16x16xf32, #tpu.memory_space<vmem_shared>>
        tpu.wait_dma2 semaphore(%run_scoped3A : memref<!tpu.dma_semaphore, #tpu.memory_space<semaphore_mem>>) src(%dma_wait3A_973 : memref<16x16xf32, #tpu.memory_space<vmem_shared>>) dst(%arg10 : memref<16x16xf32, #tpu.memory_space<vmem>>)
        tpu.yield
      }) : () -> ()
      %broadcast_in_dim3A_874 = arith.constant 0.000000e+00 : f32
      %broadcast_in_dim3A_875 = vector.broadcast %broadcast_in_dim3A_874 : f32 to vector<16xf32>
      %get3A_876 = arith.constant 0 : i32
      %get3A_877 = arith.index_cast %get3A_876 : i32 to index
      %get3A_878 = arith.constant 0 : index
      %get3A_879 = tpu.vector_load %arg10[%get3A_877, %get3A_878] {strides = array<i32>} : memref<16x16xf32, #tpu.memory_space<vmem>>, vector<16xf32>,
      %add3A_880 = arith.addf %broadcast_in_dim3A_875, %get3A_879 : vector<16xf32>
      %get3A_881 = arith.constant 1 : i32
      %get3A_882 = arith.index_cast %get3A_881 : i32 to index
      %get3A_883 = arith.constant 0 : index
      %get3A_884 = tpu.vector_load %arg10[%get3A_882, %get3A_883] {strides = array<i32>} : memref<16x16xf32, #tpu.memory_space<vmem>>, vector<16xf32>,
      %add3A_885 = arith.addf %add3A_880, %get3A_884 : vector<16xf32>
      %get3A_886 = arith.constant 2 : i32
      %get3A_887 = arith.index_cast %get3A_886 : i32 to index
      %get3A_888 = arith.constant 0 : index
      %get3A_889 = tpu.vector_load %arg10[%get3A_887, %get3A_888] {strides = array<i32>} : memref<16x16xf32, #tpu.memory_space<vmem>>, vector<16xf32>,
      %add3A_890 = arith.addf %add3A_885, %get3A_889 : vector<16xf32>
      %get3A_891 = arith.constant 3 : i32
      %get3A_892 = arith.index_cast %get3A_891 : i32 to index
      %get3A_893 = arith.constant 0 : index
      %get3A_894 = tpu.vector_load %arg10[%get3A_892, %get3A_893] {strides = array<i32>} : memref<16x16xf32, #tpu.memory_space<vmem>>, vector<16xf32>,
      %add3A_895 = arith.addf %add3A_890, %get3A_894 : vector<16xf32>
      %get3A_896 = arith.constant 4 : i32
      %get3A_897 = arith.index_cast %get3A_896 : i32 to index
      %get3A_898 = arith.constant 0 : index
      %get3A_899 = tpu.vector_load %arg10[%get3A_897, %get3A_898] {strides = array<i32>} : memref<16x16xf32, #tpu.memory_space<vmem>>, vector<16xf32>,
      %add3A_900 = arith.addf %add3A_895, %get3A_899 : vector<16xf32>
      %get3A_901 = arith.constant 5 : i32
      %get3A_902 = arith.index_cast %get3A_901 : i32 to index
      %get3A_903 = arith.constant 0 : index
      %get3A_904 = tpu.vector_load %arg10[%get3A_902, %get3A_903] {strides = array<i32>} : memref<16x16xf32, #tpu.memory_space<vmem>>, vector<16xf32>,
      %add3A_905 = arith.addf %add3A_900, %get3A_904 : vector<16xf32>
      %get3A_906 = arith.constant 6 : i32
      %get3A_907 = arith.index_cast %get3A_906 : i32 to index
      %get3A_908 = arith.constant 0 : index
      %get3A_909 = tpu.vector_load %arg10[%get3A_907, %get3A_908] {strides = array<i32>} : memref<16x16xf32, #tpu.memory_space<vmem>>, vector<16xf32>,
      %add3A_910 = arith.addf %add3A_905, %get3A_909 : vector<16xf32>
      %get3A_911 = arith.constant 7 : i32
      %get3A_912 = arith.index_cast %get3A_911 : i32 to index
      %get3A_913 = arith.constant 0 : index
      %get3A_914 = tpu.vector_load %arg10[%get3A_912, %get3A_913] {strides = array<i32>} : memref<16x16xf32, #tpu.memory_space<vmem>>, vector<16xf32>,
      %add3A_915 = arith.addf %add3A_910, %get3A_914 : vector<16xf32>
      %get3A_916 = arith.constant 8 : i32
      %get3A_917 = arith.index_cast %get3A_916 : i32 to index
      %get3A_918 = arith.constant 0 : index
      %get3A_919 = tpu.vector_load %arg10[%get3A_917, %get3A_918] {strides = array<i32>} : memref<16x16xf32, #tpu.memory_space<vmem>>, vector<16xf32>,
      %add3A_920 = arith.addf %add3A_915, %get3A_919 : vector<16xf32>
      %get3A_921 = arith.constant 9 : i32
      %get3A_922 = arith.index_cast %get3A_921 : i32 to index
      %get3A_923 = arith.constant 0 : index
      %get3A_924 = tpu.vector_load %arg10[%get3A_922, %get3A_923] {strides = array<i32>} : memref<16x16xf32, #tpu.memory_space<vmem>>, vector<16xf32>,
      %add3A_925 = arith.addf %add3A_920, %get3A_924 : vector<16xf32>
      %get3A_926 = arith.constant 10 : i32
      %get3A_927 = arith.index_cast %get3A_926 : i32 to index
      %get3A_928 = arith.constant 0 : index
      %get3A_929 = tpu.vector_load %arg10[%get3A_927, %get3A_928] {strides = array<i32>} : memref<16x16xf32, #tpu.memory_space<vmem>>, vector<16xf32>,
      %add3A_930 = arith.addf %add3A_925, %get3A_929 : vector<16xf32>
      %get3A_931 = arith.constant 11 : i32
      %get3A_932 = arith.index_cast %get3A_931 : i32 to index
      %get3A_933 = arith.constant 0 : index
      %get3A_934 = tpu.vector_load %arg10[%get3A_932, %get3A_933] {strides = array<i32>} : memref<16x16xf32, #tpu.memory_space<vmem>>, vector<16xf32>,
      %add3A_935 = arith.addf %add3A_930, %get3A_934 : vector<16xf32>
      %get3A_936 = arith.constant 12 : i32
      %get3A_937 = arith.index_cast %get3A_936 : i32 to index
      %get3A_938 = arith.constant 0 : index
      %get3A_939 = tpu.vector_load %arg10[%get3A_937, %get3A_938] {strides = array<i32>} : memref<16x16xf32, #tpu.memory_space<vmem>>, vector<16xf32>,
      %add3A_940 = arith.addf %add3A_935, %get3A_939 : vector<16xf32>
      %get3A_941 = arith.constant 13 : i32
      %get3A_942 = arith.index_cast %get3A_941 : i32 to index
      %get3A_943 = arith.constant 0 : index
      %get3A_944 = tpu.vector_load %arg10[%get3A_942, %get3A_943] {strides = array<i32>} : memref<16x16xf32, #tpu.memory_space<vmem>>, vector<16xf32>,
      %add3A_945 = arith.addf %add3A_940, %get3A_944 : vector<16xf32>
      %get3A_946 = arith.constant 14 : i32
      %get3A_947 = arith.index_cast %get3A_946 : i32 to index
      %get3A_948 = arith.constant 0 : index
      %get3A_949 = tpu.vector_load %arg10[%get3A_947, %get3A_948] {strides = array<i32>} : memref<16x16xf32, #tpu.memory_space<vmem>>, vector<16xf32>,
      %add3A_950 = arith.addf %add3A_945, %get3A_949 : vector<16xf32>
      %get3A_951 = arith.constant 15 : i32
      %get3A_952 = arith.index_cast %get3A_951 : i32 to index
      %get3A_953 = arith.constant 0 : index
      %get3A_954 = tpu.vector_load %arg10[%get3A_952, %get3A_953] {strides = array<i32>} : memref<16x16xf32, #tpu.memory_space<vmem>>, vector<16xf32>,
      %add3A_955 = arith.addf %add3A_950, %get3A_954 : vector<16xf32>
      %reduce_sum3A = arith.constant true
      %reduce_sum3A_956 = vector.broadcast %reduce_sum3A : i1 to vector<16xi1>
      %reduce_sum3A_957 = tpu.scan <sum>, %add3A_955 masked %reduce_sum3A_956 : vector<16xf32>, vector<16xi1> -> vector<16xf32>
      %reduce_sum3A_958 = vector.extract %reduce_sum3A_957[15] : f32 from vector<16xf32>
      %broadcast_in_dim3A_959 = vector.broadcast %reduce_sum3A_958 : f32 to vector<16xf32>
      %swap3A_960 = arith.constant 0 : index
      %swap3A_961 = tpu.vector_load %arg11[%swap3A_960] {strides = array<i32>} : memref<16xf32, #tpu.memory_space<vmem>>, vector<16xf32>,
      tpu.vector_store %arg11[%swap3A_960], %broadcast_in_dim3A_959 {strides = array<i32>} : memref<16xf32, #tpu.memory_space<vmem>>, vector<16xf32>,
      "tpu.region"() ({
        %run_scoped3A = tpu.sem_alloc : memref<!tpu.dma_semaphore, #tpu.memory_space<semaphore_mem>>
        tpu.enqueue_dma source(%arg11 : memref<16xf32, #tpu.memory_space<vmem>>) target(%arg5 : memref<16xf32, #tpu.memory_space<hbm>>) target_semaphore(%run_scoped3A : memref<!tpu.dma_semaphore, #tpu.memory_space<semaphore_mem>>)
        tpu.wait_dma2 semaphore(%run_scoped3A : memref<!tpu.dma_semaphore, #tpu.memory_space<semaphore_mem>>) src(%arg11 : memref<16xf32, #tpu.memory_space<vmem>>) dst(%arg5 : memref<16xf32, #tpu.memory_space<hbm>>)
        tpu.yield
      }) : () -> ()
    } else {
    }
    return
  }
}

</mosaic_0001>

<sc_bundles>
// kernel: _gan_loss.3.cloned.1.call-start
scs
__scs_entry_jumppad:
0x0: {  	(pc) =	sbr.rel $0x88, $3  }
0x1: {  	(tag) =	ssettag $0x0;
	lr =	simm.s32 $0x1  }
0x2: {  	[smem:$0x3F9E] =	sst lr;
	_ =	strace $0xD0000000  }
0x3: {  	_ = 	snop  }
0x4: {  	_ = 	snop  }
0x5: {  	_ = 	snop  }
0x6: {  	_ = 	snop  }
0x7: {  	_ = 	snop  }
__scs_overlays_trampoline_lowered:
0x8: {  	[smem:$0x3FAD] =	sst s0  }
0x9: {  	[smem:$0x3FAE] =	sst s1  }
0xa: {  	[smem:$0x3FAF] =	sst s2  }
0xb: {  	[smem:$0x3FB0] =	sst s3  }
0xc: {  	[smem:$0x3FB1] =	sst s4  }
0xd: {  	[smem:$0x3FB2] =	sst s5  }
0xe: {  	[smem:$0x3FB3] =	sst s6  }
0xf: {  	[smem:$0x3FB4] =	sst s7  }
0x10: {  	[smem:$0x3FB5] =	sst s8  }
0x11: {  	[smem:$0x3FB6] =	sst s9;
	s0 =	simm.s32 @!p0 $0x0  }
0x12: {  	s1 =	sld [smem:$0x3F9C];
	s0 =	simm.s32 @p0 $0x1  }
0x13: {  	[smem:$0x3FB7] =	sst s0;
	s0 =	simm.s32 @!p1 $0x0  }
0x14: {  	s2 =	sld [smem:$0x3F9B];
	s0 =	simm.s32 @p1 $0x1  }
0x15: {  	[smem:$0x3FB8] =	sst s0;
	s0 =	simm.s32 @!p2 $0x0  }
0x16: {  	s3 =	sld [smem:$0x3FDB];
	s0 =	simm.s32 @p2 $0x1  }
0x17: {  	s4 =	simm.s32 $0x1BF5;
	[smem:$0x3FBA] =	sst s0  }
0x18: {  	s0 =	sld [smem:$0x3F9D];
	_ =	swait.ge [sflag:s4], $0x0  }
0x19: {  	s7 =	sld [smem:$0x3F9E]  }
0x1a: {  	s8 =	sadd.s32 $0xFFFFE003, lr  }
0x1b: {  	s9 =	sadd.s32 $0xFFFFFEF7, lr;
	s5 =	simm.s32 $0xFFFFFFFF;
	p2 =	slt.u32 s8, $0xFFFFF086  }
0x1c: {  	p1 =	slt.u32 s9, $0xF7A;
	s5 =	simm.s32 @!p2 $0x0  }
0x1d: {  	s5 =	simm.s32 @p1 $0x1;
	p0 =	seq.s32 s7, s2  }
0x1e: {  	s7 =	smul.u32 @!p0 $0xF7A, s2;
	p2 =	seq.s32 @!p0 s5, $0x0  }
0x1f: {  	s9 =	smul.u32 $0xF7A, s1;
	s8 =	simm.s32 @!p0 $0x1BF5;
	p2 =	por !p2, p0  }
0x20: {  	[sflag:s8] =	ssyncset.s32 @!p0 $0xFFFFF086;
	s6 =	sadd.s32 @!p0 s3, s7;
	s7 =	simm.s32 @!p0 $0x108  }
0x21: {  	s3 =	sadd.s32 s3, s9;
	s6 =	sadd.s32 @!p0 $0x88, s6;
	s7 =	simm.s32 @p2 $0x1082  }
0x22: {  	[simem:s7], [sflag:s8] =	dma.local @!p0 [hbm:s6], $0xF7A  }
0x23: {  	s9 =	sor.u32 $0xD0000000, s2;
	s6 =	simm.s32 $0x108;
	_ =	swait.ge @!p0 [sflag:s8], $0x0  }
0x24: {  	s3 =	sadd.s32 $0x88, s3;
	s6 =	simm.s32 @!p1 $0x1082;
	[sflag:s4] =	ssyncset.s32 $0xFFFFF086  }
0x25: {  	[simem:s6], [sflag:s4] =	dma.local [hbm:s3], $0xF7A  }
0x26: {  	[smem:$0x3F9E] =	sst s1;
	(tag) =	ssettag s2;
	_ =	strace s9  }
0x27: {  	s1 =	sld [smem:$0x3FAE]  }
0x28: {  	s2 =	sld [smem:$0x3FAF]  }
0x29: {  	s4 =	sld [smem:$0x3FB1]  }
0x2a: {  	p0 =	seq.s32 s5, $0x0;
	s5 =	sld [smem:$0x3FB2]  }
0x2b: {  	s6 =	sld [smem:$0x3FB3]  }
0x2c: {  	s7 =	sld [smem:$0x3FB4]  }
0x2d: {  	s3 =	simm.s32 $0x108;
	s8 =	sld [smem:$0x3FB5]  }
0x2e: {  	s3 =	simm.s32 @!p0 $0x1082;
	s9 =	sld [smem:$0x3FB6]  }
0x2f: {  	lr =	sadd.s32 s0, s3;
	s0 =	sld [smem:$0x3FAD]  }
0x30: {  	s3 =	sld [smem:$0x3FB0]  }
0x31: {  	[smem:$0x3FB9] =	sst s10  }
0x32: {  	s10 =	sld [smem:$0x3FB7];
	_ =	sdelay $0x3  }
0x33: {  	p0 =	seq.s32 s10, $0x1;
	s10 =	sld [smem:$0x3FB9];
	_ =	sdelay $0x3  }
0x34: {  	[smem:$0x3FB9] =	sst s10  }
0x35: {  	s10 =	sld [smem:$0x3FB8];
	_ =	sdelay $0x3  }
0x36: {  	p1 =	seq.s32 s10, $0x1;
	s10 =	sld [smem:$0x3FB9];
	_ =	sdelay $0x3  }
0x37: {  	[smem:$0x3FB9] =	sst s10  }
0x38: {  	s10 =	sld [smem:$0x3FBA]  }
0x39: {  	_ = 	snop;
	(pc) =	sbr.ind lr, $3  }
0x3a: {  	_ = 	snop  }
0x3b: {  	_ = 	snop  }
0x3c: {  	p2 =	seq.s32 s10, $0x1;
	s10 =	sld [smem:$0x3FB9]  }
0x3d: {  	_ =	shalt  }
0x3e: {  	_ =	shalt  }
0x3f: {  	_ =	shalt  }
0x40: {  	_ =	shalt  }
0x41: {  	_ =	shalt  }
0x42: {  	_ =	shalt  }
0x43: {  	_ =	shalt  }
0x44: {  	_ =	shalt  }
0x45: {  	_ =	shalt  }
0x46: {  	_ =	shalt  }
0x47: {  	_ =	shalt  }
0x48: {  	_ =	shalt  }
0x49: {  	_ =	shalt  }
0x4a: {  	_ =	shalt  }
0x4b: {  	_ =	shalt  }
0x4c: {  	_ =	shalt  }
0x4d: {  	_ =	shalt  }
0x4e: {  	_ =	shalt  }
0x4f: {  	_ =	shalt  }
0x50: {  	_ =	shalt  }
0x51: {  	_ =	shalt  }
0x52: {  	_ =	shalt  }
0x53: {  	_ =	shalt  }
0x54: {  	_ =	shalt  }
0x55: {  	_ =	shalt  }
0x56: {  	_ =	shalt  }
0x57: {  	_ =	shalt  }
0x58: {  	_ =	shalt  }
0x59: {  	_ =	shalt  }
0x5a: {  	_ =	shalt  }
0x5b: {  	_ =	shalt  }
0x5c: {  	_ =	shalt  }
0x5d: {  	_ =	shalt  }
0x5e: {  	_ =	shalt  }
0x5f: {  	_ =	shalt  }
0x60: {  	_ =	shalt  }
0x61: {  	_ =	shalt  }
0x62: {  	_ =	shalt  }
0x63: {  	_ =	shalt  }
0x64: {  	_ =	shalt  }
0x65: {  	_ =	shalt  }
0x66: {  	_ =	shalt  }
0x67: {  	_ =	shalt  }
0x68: {  	_ =	shalt  }
0x69: {  	_ =	shalt  }
0x6a: {  	_ =	shalt  }
0x6b: {  	_ =	shalt  }
0x6c: {  	_ =	shalt  }
0x6d: {  	_ =	shalt  }
0x6e: {  	_ =	shalt  }
0x6f: {  	_ =	shalt  }
0x70: {  	_ =	shalt  }
0x71: {  	_ =	shalt  }
0x72: {  	_ =	shalt  }
0x73: {  	_ =	shalt  }
0x74: {  	_ =	shalt  }
0x75: {  	_ =	shalt  }
0x76: {  	_ =	shalt  }
0x77: {  	_ =	shalt  }
0x78: {  	_ =	shalt  }
0x79: {  	_ =	shalt  }
0x7a: {  	_ =	shalt  }
0x7b: {  	_ =	shalt  }
0x7c: {  	_ =	shalt  }
0x7d: {  	_ =	shalt  }
0x7e: {  	_ =	shalt  }
0x7f: {  	_ =	shalt  }
0x80: {  	_ =	shalt  }
0x81: {  	_ =	shalt  }
0x82: {  	_ =	shalt  }
0x83: {  	_ =	shalt  }
0x84: {  	_ =	shalt  }
0x85: {  	_ =	shalt  }
0x86: {  	_ =	shalt  }
0x87: {  	_ =	shalt  }
.Lfunc_end0:
.L_simem_size_0:
called_computation_lowered:
.L_overlay_start_0:
0x88: {  	s0 =	sld [smem:$0x3FD9]  }
0x89: {  	s1 =	sld [smem:$0x3FFE];
	_ =	sdelay $0x3  }
0x8a: {  	s0 =	sadd.s32 s1, s0  }
0x8b: {  	[smem:$0x3FC5] =	sst s0  }
0x8c: {  	_ = 	snop  }
0x8d: {  	s0 =	sld [smem:$0x3FC8]  }
0x8e: {  	s16 =	sld [smem:$0x3FC7]  }
0x8f: {  	s2 =	sld [smem:$0x3FD0];
	(tm) =	ssettm $0x1  }
0x90: {  	s3 =	sld [smem:$0x3FFB];
	_ =	sdelay $0x3  }
0x91: {  	_ =	strace s3  }
0x92: {  	s3 =	sld [smem:$0x3FFC];
	_ =	sdelay $0x3  }
0x93: {  	_ =	strace s3  }
0x94: {  	s3 =	sld [smem:$0x3FFD];
	_ =	sdelay $0x3  }
0x95: {  	_ =	strace s3  }
0x96: {  	_ =	strace $0x8FFFFFFF  }
0x97: {  	s17 =	sld [smem:$0x3FDB];
	_ =	sdelay $0x1  }
0x98: {  	s4 =	simm.s32 $_scs_section_size  }
0x99: {  	s5 =	simm.s32 $_size__tile_overlayer_lowered;
	s6 =	simm.s32 $_tile_overlayer_lowered  }
0x9a: {  	s20 =	simm.s32 $0x1BFF;
	s19 =	sshll.u32 s6, $0x1;
	s3 =	sadd.s32 s4, s17  }
0x9b: {  	s7 =	simm.s32 $0x0;
	s18 =	sshll.u32 s5, $0x1;
	s5 =	sadd.s32 s19, s3  }
0x9c: {  	[timem:s7], [sflag:s20] =	dma.local [hbm:s5], s18  }
0x9d: {  	_ =	swait.ge [sflag:s20], s18  }
0x9e: {  	s4 =	ssub.s32 $0x0, s18;
	[sflag:s20] =	ssyncset.done $0x0  }
0x9f: {  	[sflag:s20] =	ssyncadd.s32 s4;
	_ =	sdelay $0x1  }
0xa0: {  	s21 =	simm.s32 $0x1B8B  }
0xa1: {  	_ =	swait.ge [sflag:s21], $0x1  }
0xa2: {  	[sflag:s21] =	ssyncset.done $0x0  }
0xa3: {  	s23 =	simm.s32 $0x1B8E;
	s22 =	sld [smem:$0x3FFE];
	[sflag:s21] =	ssyncadd.s32 $0xFFFFFFFF  }
0xa4: {  	s24 =	simm.s32 $execute0_lowered;
	[smem:$0x3FD2] =	sst s23  }
0xa5: {  	s5 =	sshll.u32 s24, $0x1;
	_ =	strace $0x80000046;
	[dreg:$0x1] =	wrdreg $0xFFFFFFFF  }
0xa6: {  	s25 =	simm.s32 $_size_execute0_lowered;
	s3 =	sadd.s32 s3, s5;
	[dreg:$0x0] =	wrdreg $0x0  }
0xa7: {  	s5 =	sshll.u32 s25, $0x1;
	[dreg:$0x2] =	wrdreg s3  }
0xa8: {  	[dreg:$0x3] =	wrdreg s5  }
0xa9: {  	[dreg:$0x4] =	wrdreg $0xC0  }
0xaa: {  	_ =	task [dreg:s7], $0x5FFFF  }
0xab: {  	[dreg:$0x1] =	wrdreg $0xFFFFFFFF  }
0xac: {  	[dreg:$0x0] =	wrdreg $0x60  }
0xad: {  	[dreg:$0x2] =	wrdreg s22  }
0xae: {  	[dreg:$0x3] =	wrdreg s0  }
0xaf: {  	[dreg:$0x4] =	wrdreg s16  }
0xb0: {  	[dreg:$0x5] =	wrdreg s2  }
0xb1: {  	[dreg:$0x6] =	wrdreg $0x8A000  }
0xb2: {  	[dreg:$0x7] =	wrdreg $0x9  }
0xb3: {  	_ =	task.clear_ibuf [dreg:s7], $0x8FFFF;
	_ =	strace $0x90000046  }
0xb4: {  	s26 =	simm.s32 $0x9;
	_ =	strace $0x80000048  }
0xb5: {  	_ =	swait.ge [sflag:s26], $0x1  }
0xb6: {  	[sflag:s26] =	ssyncadd.s32 $0xFFFFFFFF  }
0xb7: {  	_ =	strace $0x90000048  }
0xb8: {  	_ =	sfence  }
0xb9: {  	s28 =	sld [smem:$0x0];
	_ =	sdelay $0x1  }
0xba: {  	s29 =	srdreg.scid  }
0xbb: {  	s30 =	sshll.u32 s29, $0xD;
	s31 =	sshrl.u32 s29, $0x2  }
0xbc: {  	s1 =	sand.u32 $0x1, s29;
	s2 =	sand.u32 $0x4000, s30;
	s0 =	sadd.s32 s31, s28  }
0xbd: {  	s1 =	sor.u32 s2, s1;
	s0 =	sshll.u32 s0, $0x11  }
0xbe: {  	s0 =	sor.u32 s0, s1  }
0xbf: {  	s0 =	sadd.s32 $0x8F2B, s0  }
0xc0: {  	[sflag:s0] =	ssyncadd.remote.s32 $0x1  }
0xc1: {  	_ =	sfence.sel $0xFFFF  }
0xc2: {  	[dreg:$0x0] =	wrdreg $0xFFFFFFFF;
	(pc) =	sbr.abs _section_cstart, $3  }
0xc3: {  	[dreg:$0x1] =	wrdreg $0xFFFFFFFF  }
0xc4: {  	_ =	task.clear_ibuf [dreg:s7], $0x2FFFF;
	_ =	strace $0x9FFFFFFF  }
0xc5: {  	(tm) =	ssettm $0x7FFFFFFF  }
tec
execute0_lowered:
.L_overlay_start_1:
0x0: {  	(tag) =	ssettag $0x1  }
0x1: {  	s5 =	rddreg [dreg:$0x0]  }
0x2: {  	s4 =	rddreg [dreg:$0x1]  }
0x3: {  	s7 =	rddreg [dreg:$0x2]  }
0x4: {  	s1 =	rddreg [dreg:$0x3]  }
0x5: {  	s2 =	rddreg [dreg:$0x4];
	s6 =	simm.s32 $0x0;
	s3 =	stileid.u32  }
0x6: {  	[smem:$0x7FF] =	sst s6;
	s8 =	sshll.u32 s3, $0x2  }
0x7: {  	s0 =	rddreg [dreg:$0x5];
	_ =	strace $0x80000047;
	s4 =	sadd.s32 s4, s8  }
0x8: {  	[tilespmem:s6], [sflag:$0x1] =	stream.linear.gather [hbm4b:s4+s6], $0x20, $0x38;
	[tilespmem:$0x8A50] =	vst v63  }
0x9: {  	s21 =	simm.s32 $0x80;
	s20 =	sadd.s32 s7, s8;
	s4 =	simm.s32 $0x1  }
0xa: {  	[tilespmem:s21], [sflag:$0x1] =	stream.linear.gather [hbm4b:s20+s6], $0x20, $0x38;
	[tilespmem:$0x8A50] =	vst v63  }
0xb: {  	_ =	swait.ge [sflag:s4], $0x20  }
0xc: {  	[sflag:s4] =	ssyncset.done $0x0  }
0xd: {  	[sflag:s4] =	ssyncadd.s32 $0xFFFFFFE0  }
0xe: {  	v0 =	vld [tilespmem:$0x0];
	_ =	sdelay $0x4  }
0xf: {  	v2 =	vshll.u32 v0, $0x3  }
0x10: {  	(v2sf) =	vpush v2, $0x0;
	_ =	sdelay $0x3  }
0x11: {  	(v2sf) =	vpush v2, $0x1;
	_ =	sdelay $0x4  }
0x12: {  	(v2sf) =	vpush v2, $0x2;
	_ =	sdelay $0x5  }
0x13: {  	s8 =	smul.u32 $0x30E000, s3;
	s22 =	spop (v2sf)  }
0x14: {  	(v2sf) =	vpush v2, $0x3;
	s7 =	sand.u32 $0x7FFFFC00, s22  }
0x15: {  	s9 =	sadd.s32 s8, s7  }
0x16: {  	s7 =	sadd.s32 $0x400, s5;
	s23 =	sshrl.u32 s9, $0x3  }
0x17: {  	s24 =	spop (v2sf);
	s5 =	simm.s32 $0x100;
	s9 =	sadd.s32 s7, s23  }
0x18: {  	v1 =	vld [tilespmem:$0x10];
	(v2sf) =	vpush v2, $0x4;
	[tilespmem:s5], [sflag:$0x1] =	stream.linear.gather [hbm4b:s9+s6], $0x400, $0x38  }
0x19: {  	s9 =	sand.u32 $0x7FFFFC00, s24  }
0x1a: {  	s9 =	sadd.s32 s8, s9  }
0x1b: {  	s9 =	sshrl.u32 s9, $0x3  }
0x1c: {  	s10 =	simm.s32 $0x500;
	s25 =	spop (v2sf);
	s9 =	sadd.s32 s7, s9  }
0x1d: {  	(v2sf) =	vpush v2, $0x5;
	[tilespmem:s10], [sflag:$0x1] =	stream.linear.gather [hbm4b:s9+s6], $0x400, $0x38;
	[tilespmem:$0x8A50] =	vst v63  }
0x1e: {  	s9 =	sand.u32 $0x7FFFFC00, s25  }
0x1f: {  	s9 =	sadd.s32 s8, s9  }
0x20: {  	s9 =	sshrl.u32 s9, $0x3  }
0x21: {  	s26 =	simm.s32 $0x900;
	s9 =	sadd.s32 s7, s9  }
0x22: {  	[tilespmem:s26], [sflag:$0x1] =	stream.linear.gather [hbm4b:s9+s6], $0x400, $0x38;
	[tilespmem:$0x8A50] =	vst v63  }
0x23: {  	s28 =	spop (v2sf)  }
0x24: {  	(v2sf) =	vpush v2, $0x6;
	s9 =	sand.u32 $0x7FFFFC00, s28  }
0x25: {  	s9 =	sadd.s32 s8, s9  }
0x26: {  	s9 =	sshrl.u32 s9, $0x3  }
0x27: {  	s29 =	simm.s32 $0xD00;
	s30 =	spop (v2sf);
	s9 =	sadd.s32 s7, s9  }
0x28: {  	(v2sf) =	vpush v2, $0x7;
	[tilespmem:s29], [sflag:$0x1] =	stream.linear.gather [hbm4b:s9+s6], $0x400, $0x38;
	[tilespmem:$0x8A50] =	vst v63  }
0x29: {  	s9 =	sand.u32 $0x7FFFFC00, s30  }
0x2a: {  	s9 =	sadd.s32 s8, s9  }
0x2b: {  	s9 =	sshrl.u32 s9, $0x3  }
0x2c: {  	s31 =	simm.s32 $0x1100;
	s11 =	spop (v2sf);
	s9 =	sadd.s32 s7, s9  }
0x2d: {  	(v2sf) =	vpush v2, $0x8;
	[tilespmem:s31], [sflag:$0x1] =	stream.linear.gather [hbm4b:s9+s6], $0x400, $0x38;
	[tilespmem:$0x8A50] =	vst v63  }
0x2e: {  	s9 =	sand.u32 $0x7FFFFC00, s11  }
0x2f: {  	s9 =	sadd.s32 s8, s9  }
0x30: {  	s9 =	sshrl.u32 s9, $0x3  }
0x31: {  	s12 =	simm.s32 $0x1500;
	s9 =	sadd.s32 s7, s9  }
0x32: {  	[tilespmem:s12], [sflag:$0x1] =	stream.linear.gather [hbm4b:s9+s6], $0x400, $0x38;
	[tilespmem:$0x8A50] =	vst v63  }
0x33: {  	s13 =	spop (v2sf)  }
0x34: {  	(v2sf) =	vpush v2, $0x9;
	s9 =	sand.u32 $0x7FFFFC00, s13  }
0x35: {  	s9 =	sadd.s32 s8, s9  }
0x36: {  	s9 =	sshrl.u32 s9, $0x3  }
0x37: {  	s14 =	simm.s32 $0x1900;
	s15 =	spop (v2sf);
	s9 =	sadd.s32 s7, s9  }
0x38: {  	(v2sf) =	vpush v2, $0xA;
	[tilespmem:s14], [sflag:$0x1] =	stream.linear.gather [hbm4b:s9+s6], $0x400, $0x38;
	[tilespmem:$0x8A50] =	vst v63  }
0x39: {  	s9 =	sand.u32 $0x7FFFFC00, s15  }
0x3a: {  	s9 =	sadd.s32 s8, s9  }
0x3b: {  	s9 =	sshrl.u32 s9, $0x3  }
0x3c: {  	s16 =	simm.s32 $0x1D00;
	s17 =	spop (v2sf);
	s9 =	sadd.s32 s7, s9  }
0x3d: {  	(v2sf) =	vpush v2, $0xB;
	[tilespmem:s16], [sflag:$0x1] =	stream.linear.gather [hbm4b:s9+s6], $0x400, $0x38;
	[tilespmem:$0x8A50] =	vst v63  }
0x3e: {  	s18 =	sadd.s32 $0xC3800, s8;
	s9 =	sand.u32 $0x7FFFFC00, s17  }
0x3f: {  	s9 =	sadd.s32 s18, s9  }
0x40: {  	s9 =	sshrl.u32 s9, $0x3  }
0x41: {  	s11 =	simm.s32 $0x2100;
	s9 =	sadd.s32 s7, s9  }
0x42: {  	[tilespmem:s11], [sflag:$0x1] =	stream.linear.gather [hbm4b:s9+s6], $0x400, $0x38;
	[tilespmem:$0x8A50] =	vst v63  }
0x43: {  	s19 =	spop (v2sf)  }
0x44: {  	(v2sf) =	vpush v2, $0xC;
	s9 =	sand.u32 $0x7FFFFC00, s19  }
0x45: {  	s9 =	sadd.s32 s18, s9  }
0x46: {  	s9 =	sshrl.u32 s9, $0x3  }
0x47: {  	s20 =	simm.s32 $0x2500;
	s21 =	spop (v2sf);
	s9 =	sadd.s32 s7, s9  }
0x48: {  	(v2sf) =	vpush v2, $0xD;
	[tilespmem:s20], [sflag:$0x1] =	stream.linear.gather [hbm4b:s9+s6], $0x400, $0x38;
	[tilespmem:$0x8A50] =	vst v63  }
0x49: {  	s9 =	sand.u32 $0x7FFFFC00, s21  }
0x4a: {  	s9 =	sadd.s32 s18, s9  }
0x4b: {  	s9 =	sshrl.u32 s9, $0x3  }
0x4c: {  	s22 =	simm.s32 $0x2900;
	s23 =	spop (v2sf);
	s9 =	sadd.s32 s7, s9  }
0x4d: {  	(v2sf) =	vpush v2, $0xE;
	[tilespmem:s22], [sflag:$0x1] =	stream.linear.gather [hbm4b:s9+s6], $0x400, $0x38;
	[tilespmem:$0x8A50] =	vst v63  }
0x4e: {  	s9 =	sand.u32 $0x7FFFFC00, s23  }
0x4f: {  	s9 =	sadd.s32 s18, s9  }
0x50: {  	s9 =	sshrl.u32 s9, $0x3  }
0x51: {  	s24 =	simm.s32 $0x2D00;
	s9 =	sadd.s32 s7, s9  }
0x52: {  	[tilespmem:s24], [sflag:$0x1] =	stream.linear.gather [hbm4b:s9+s6], $0x400, $0x38;
	[tilespmem:$0x8A50] =	vst v63  }
0x53: {  	s25 =	spop (v2sf)  }
0x54: {  	(v2sf) =	vpush v2, $0xF;
	s9 =	sand.u32 $0x7FFFFC00, s25  }
0x55: {  	s9 =	sadd.s32 s18, s9  }
0x56: {  	s9 =	sshrl.u32 s9, $0x3  }
0x57: {  	v59 =	vshll.u32 v1, $0x3;
	s26 =	simm.s32 $0x3100;
	s28 =	spop (v2sf);
	s9 =	sadd.s32 s7, s9  }
0x58: {  	(v2sf) =	vpush v59, $0x0;
	[tilespmem:s26], [sflag:$0x1] =	stream.linear.gather [hbm4b:s9+s6], $0x400, $0x38;
	[tilespmem:$0x8A50] =	vst v63  }
0x59: {  	s9 =	sand.u32 $0x7FFFFC00, s28  }
0x5a: {  	s9 =	sadd.s32 s18, s9  }
0x5b: {  	s9 =	sshrl.u32 s9, $0x3  }
0x5c: {  	s29 =	simm.s32 $0x3500;
	s30 =	spop (v2sf);
	s9 =	sadd.s32 s7, s9  }
0x5d: {  	(v2sf) =	vpush v59, $0x1;
	[tilespmem:s29], [sflag:$0x1] =	stream.linear.gather [hbm4b:s9+s6], $0x400, $0x38;
	[tilespmem:$0x8A50] =	vst v63  }
0x5e: {  	s9 =	sand.u32 $0x7FFFFC00, s30  }
0x5f: {  	s9 =	sadd.s32 s18, s9  }
0x60: {  	s9 =	sshrl.u32 s9, $0x3  }
0x61: {  	s31 =	simm.s32 $0x3900;
	s9 =	sadd.s32 s7, s9  }
0x62: {  	[tilespmem:s31], [sflag:$0x1] =	stream.linear.gather [hbm4b:s9+s6], $0x400, $0x38;
	[tilespmem:$0x8A50] =	vst v63  }
0x63: {  	s12 =	spop (v2sf)  }
0x64: {  	(v2sf) =	vpush v59, $0x2;
	s9 =	sand.u32 $0x7FFFFC00, s12  }
0x65: {  	s9 =	sadd.s32 s18, s9  }
0x66: {  	s9 =	sshrl.u32 s9, $0x3  }
0x67: {  	s13 =	simm.s32 $0x3D00;
	s14 =	spop (v2sf);
	s9 =	sadd.s32 s7, s9  }
0x68: {  	(v2sf) =	vpush v59, $0x3;
	[tilespmem:s13], [sflag:$0x1] =	stream.linear.gather [hbm4b:s9+s6], $0x400, $0x38;
	[tilespmem:$0x8A50] =	vst v63  }
0x69: {  	s15 =	sadd.s32 $0x187000, s8;
	s9 =	sand.u32 $0x7FFFFC00, s14  }
0x6a: {  	s9 =	sadd.s32 s15, s9  }
0x6b: {  	s9 =	sshrl.u32 s9, $0x3  }
0x6c: {  	s16 =	simm.s32 $0x4100;
	s17 =	spop (v2sf);
	s9 =	sadd.s32 s7, s9  }
0x6d: {  	(v2sf) =	vpush v59, $0x4;
	[tilespmem:s16], [sflag:$0x1] =	stream.linear.gather [hbm4b:s9+s6], $0x400, $0x38;
	[tilespmem:$0x8A50] =	vst v63  }
0x6e: {  	s9 =	sand.u32 $0x7FFFFC00, s17  }
0x6f: {  	s9 =	sadd.s32 s15, s9  }
0x70: {  	s9 =	sshrl.u32 s9, $0x3  }
0x71: {  	s18 =	simm.s32 $0x4500;
	s9 =	sadd.s32 s7, s9  }
0x72: {  	[tilespmem:s18], [sflag:$0x1] =	stream.linear.gather [hbm4b:s9+s6], $0x400, $0x38;
	[tilespmem:$0x8A50] =	vst v63  }
0x73: {  	s19 =	spop (v2sf)  }
0x74: {  	(v2sf) =	vpush v59, $0x5;
	s9 =	sand.u32 $0x7FFFFC00, s19  }
0x75: {  	s9 =	sadd.s32 s15, s9  }
0x76: {  	s9 =	sshrl.u32 s9, $0x3  }
0x77: {  	s20 =	simm.s32 $0x4900;
	s21 =	spop (v2sf);
	s9 =	sadd.s32 s7, s9  }
0x78: {  	(v2sf) =	vpush v59, $0x6;
	[tilespmem:s20], [sflag:$0x1] =	stream.linear.gather [hbm4b:s9+s6], $0x400, $0x38;
	[tilespmem:$0x8A50] =	vst v63  }
0x79: {  	s9 =	sand.u32 $0x7FFFFC00, s21  }
0x7a: {  	s9 =	sadd.s32 s15, s9  }
0x7b: {  	s9 =	sshrl.u32 s9, $0x3  }
0x7c: {  	s22 =	simm.s32 $0x4D00;
	s23 =	spop (v2sf);
	s9 =	sadd.s32 s7, s9  }
0x7d: {  	(v2sf) =	vpush v59, $0x7;
	[tilespmem:s22], [sflag:$0x1] =	stream.linear.gather [hbm4b:s9+s6], $0x400, $0x38;
	[tilespmem:$0x8A50] =	vst v63  }
0x7e: {  	s9 =	sand.u32 $0x7FFFFC00, s23  }
0x7f: {  	s9 =	sadd.s32 s15, s9  }
0x80: {  	s9 =	sshrl.u32 s9, $0x3  }
0x81: {  	s24 =	simm.s32 $0x5100;
	s9 =	sadd.s32 s7, s9  }
0x82: {  	[tilespmem:s24], [sflag:$0x1] =	stream.linear.gather [hbm4b:s9+s6], $0x400, $0x38;
	[tilespmem:$0x8A50] =	vst v63  }
0x83: {  	s25 =	spop (v2sf)  }
0x84: {  	(v2sf) =	vpush v59, $0x8;
	s9 =	sand.u32 $0x7FFFFC00, s25  }
0x85: {  	s9 =	sadd.s32 s15, s9  }
0x86: {  	s9 =	sshrl.u32 s9, $0x3  }
0x87: {  	s26 =	simm.s32 $0x5500;
	s28 =	spop (v2sf);
	s9 =	sadd.s32 s7, s9  }
0x88: {  	(v2sf) =	vpush v59, $0x9;
	[tilespmem:s26], [sflag:$0x1] =	stream.linear.gather [hbm4b:s9+s6], $0x400, $0x38;
	[tilespmem:$0x8A50] =	vst v63  }
0x89: {  	s9 =	sand.u32 $0x7FFFFC00, s28  }
0x8a: {  	s9 =	sadd.s32 s15, s9  }
0x8b: {  	s9 =	sshrl.u32 s9, $0x3  }
0x8c: {  	s29 =	simm.s32 $0x5900;
	s30 =	spop (v2sf);
	s9 =	sadd.s32 s7, s9  }
0x8d: {  	(v2sf) =	vpush v59, $0xA;
	[tilespmem:s29], [sflag:$0x1] =	stream.linear.gather [hbm4b:s9+s6], $0x400, $0x38;
	[tilespmem:$0x8A50] =	vst v63  }
0x8e: {  	s9 =	sand.u32 $0x7FFFFC00, s30  }
0x8f: {  	s9 =	sadd.s32 s15, s9  }
0x90: {  	s9 =	sshrl.u32 s9, $0x3  }
0x91: {  	s31 =	simm.s32 $0x5D00;
	s9 =	sadd.s32 s7, s9  }
0x92: {  	[tilespmem:s31], [sflag:$0x1] =	stream.linear.gather [hbm4b:s9+s6], $0x400, $0x38;
	[tilespmem:$0x8A50] =	vst v63  }
0x93: {  	s10 =	spop (v2sf)  }
0x94: {  	s8 =	sadd.s32 $0x24A800, s8;
	(v2sf) =	vpush v59, $0xB;
	s9 =	sand.u32 $0x7FFFFC00, s10  }
0x95: {  	s9 =	sadd.s32 s8, s9  }
0x96: {  	s9 =	sshrl.u32 s9, $0x3  }
0x97: {  	s11 =	simm.s32 $0x6100;
	s12 =	spop (v2sf);
	s9 =	sadd.s32 s7, s9  }
0x98: {  	(v2sf) =	vpush v59, $0xC;
	[tilespmem:s11], [sflag:$0x1] =	stream.linear.gather [hbm4b:s9+s6], $0x400, $0x38;
	[tilespmem:$0x8A50] =	vst v63  }
0x99: {  	s9 =	sand.u32 $0x7FFFFC00, s12  }
0x9a: {  	s9 =	sadd.s32 s8, s9  }
0x9b: {  	s9 =	sshrl.u32 s9, $0x3  }
0x9c: {  	s13 =	simm.s32 $0x6500;
	s14 =	spop (v2sf);
	(v2sf) =	vpush v59, $0xD;
	s9 =	sadd.s32 s7, s9  }
0x9d: {  	[tilespmem:s13], [sflag:$0x1] =	stream.linear.gather [hbm4b:s9+s6], $0x400, $0x38;
	[tilespmem:$0x8A50] =	vst v63  }
0x9e: {  	s9 =	sand.u32 $0x7FFFFC00, s14  }
0x9f: {  	s9 =	sadd.s32 s8, s9  }
0xa0: {  	s9 =	sshrl.u32 s9, $0x3  }
0xa1: {  	s15 =	simm.s32 $0x6900;
	s9 =	sadd.s32 s7, s9  }
0xa2: {  	[tilespmem:s15], [sflag:$0x1] =	stream.linear.gather [hbm4b:s9+s6], $0x400, $0x38;
	[tilespmem:$0x8A50] =	vst v63  }
0xa3: {  	s16 =	spop (v2sf);
	(v2sf) =	vpush v59, $0xE  }
0xa4: {  	s9 =	sand.u32 $0x7FFFFC00, s16  }
0xa5: {  	s9 =	sadd.s32 s8, s9  }
0xa6: {  	s9 =	sshrl.u32 s9, $0x3  }
0xa7: {  	s17 =	simm.s32 $0x6D00;
	s18 =	spop (v2sf);
	(v2sf) =	vpush v59, $0xF;
	s9 =	sadd.s32 s7, s9  }
0xa8: {  	[tilespmem:s17], [sflag:$0x1] =	stream.linear.gather [hbm4b:s9+s6], $0x400, $0x38;
	[tilespmem:$0x8A50] =	vst v63  }
0xa9: {  	s9 =	sand.u32 $0x7FFFFC00, s18  }
0xaa: {  	s9 =	sadd.s32 s8, s9  }
0xab: {  	s19 =	spop (v2sf);
	s9 =	sshrl.u32 s9, $0x3  }
0xac: {  	s20 =	simm.s32 $0x7100;
	s21 =	sand.u32 $0x7FFFFC00, s19;
	s9 =	sadd.s32 s7, s9  }
0xad: {  	[tilespmem:s20], [sflag:$0x1] =	stream.linear.gather [hbm4b:s9+s6], $0x400, $0x38;
	[tilespmem:$0x8A50] =	vst v63  }
0xae: {  	s9 =	sadd.s32 s8, s21  }
0xaf: {  	s9 =	sshrl.u32 s9, $0x3  }
0xb0: {  	s23 =	simm.s32 $0x7500;
	s9 =	sadd.s32 s7, s9  }
0xb1: {  	[tilespmem:s23], [sflag:$0x1] =	stream.linear.gather [hbm4b:s9+s6], $0x400, $0x38;
	[tilespmem:$0x8A50] =	vst v63  }
0xb2: {  	s22 =	spop (v2sf)  }
0xb3: {  	s24 =	sand.u32 $0x7FFFFC00, s22  }
0xb4: {  	s9 =	sadd.s32 s8, s24  }
0xb5: {  	s9 =	sshrl.u32 s9, $0x3  }
0xb6: {  	s25 =	simm.s32 $0x7900;
	s26 =	spop (v2sf);
	s9 =	sadd.s32 s7, s9  }
0xb7: {  	[tilespmem:s25], [sflag:$0x1] =	stream.linear.gather [hbm4b:s9+s6], $0x400, $0x38;
	[tilespmem:$0x8A50] =	vst v63  }
0xb8: {  	s9 =	sand.u32 $0x7FFFFC00, s26  }
0xb9: {  	s8 =	sadd.s32 s8, s9  }
0xba: {  	s8 =	sshrl.u32 s8, $0x3  }
0xbb: {  	s28 =	simm.s32 $0x7D00;
	s7 =	sadd.s32 s7, s8  }
0xbc: {  	[tilespmem:s28], [sflag:$0x1] =	stream.linear.gather [hbm4b:s7+s6], $0x400, $0x38;
	[tilespmem:$0x8A50] =	vst v63  }
0xbd: {  	_ =	swait.ge [sflag:s4], $0x20  }
0xbe: {  	[sflag:s4] =	ssyncset.done $0x0  }
0xbf: {  	[sflag:s4] =	ssyncadd.s32 $0xFFFFFFE0  }
0xc0: {  	_ =	swait.ge [sflag:s4], $0x400  }
0xc1: {  	[sflag:s4] =	ssyncset.done $0x0  }
0xc2: {  	[sflag:s4] =	ssyncadd.s32 $0xFFFFFC00  }
0xc3: {  	_ =	swait.ge [sflag:s4], $0x400  }
0xc4: {  	[sflag:s4] =	ssyncset.done $0x0  }
0xc5: {  	[sflag:s4] =	ssyncadd.s32 $0xFFFFFC00  }
0xc6: {  	_ =	swait.ge [sflag:s4], $0x400  }
0xc7: {  	[sflag:s4] =	ssyncset.done $0x0  }
0xc8: {  	[sflag:s4] =	ssyncadd.s32 $0xFFFFFC00  }
0xc9: {  	_ =	swait.ge [sflag:s4], $0x400  }
0xca: {  	[sflag:s4] =	ssyncset.done $0x0  }
0xcb: {  	[sflag:s4] =	ssyncadd.s32 $0xFFFFFC00  }
0xcc: {  	_ =	swait.ge [sflag:s4], $0x400  }
0xcd: {  	[sflag:s4] =	ssyncset.done $0x0  }
0xce: {  	[sflag:s4] =	ssyncadd.s32 $0xFFFFFC00  }
0xcf: {  	_ =	swait.ge [sflag:s4], $0x400  }
0xd0: {  	[sflag:s4] =	ssyncset.done $0x0  }
0xd1: {  	[sflag:s4] =	ssyncadd.s32 $0xFFFFFC00  }
0xd2: {  	_ =	swait.ge [sflag:s4], $0x400  }
0xd3: {  	[sflag:s4] =	ssyncset.done $0x0  }
0xd4: {  	[sflag:s4] =	ssyncadd.s32 $0xFFFFFC00  }
0xd5: {  	_ =	swait.ge [sflag:s4], $0x400  }
0xd6: {  	[sflag:s4] =	ssyncset.done $0x0  }
0xd7: {  	[sflag:s4] =	ssyncadd.s32 $0xFFFFFC00  }
0xd8: {  	_ =	swait.ge [sflag:s4], $0x400  }
0xd9: {  	[sflag:s4] =	ssyncset.done $0x0  }
0xda: {  	[sflag:s4] =	ssyncadd.s32 $0xFFFFFC00  }
0xdb: {  	_ =	swait.ge [sflag:s4], $0x400  }
0xdc: {  	[sflag:s4] =	ssyncset.done $0x0  }
0xdd: {  	[sflag:s4] =	ssyncadd.s32 $0xFFFFFC00  }
0xde: {  	_ =	swait.ge [sflag:s4], $0x400  }
0xdf: {  	[sflag:s4] =	ssyncset.done $0x0  }
0xe0: {  	[sflag:s4] =	ssyncadd.s32 $0xFFFFFC00  }
0xe1: {  	_ =	swait.ge [sflag:s4], $0x400  }
0xe2: {  	[sflag:s4] =	ssyncset.done $0x0  }
0xe3: {  	[sflag:s4] =	ssyncadd.s32 $0xFFFFFC00  }
0xe4: {  	_ =	swait.ge [sflag:s4], $0x400  }
0xe5: {  	[sflag:s4] =	ssyncset.done $0x0  }
0xe6: {  	[sflag:s4] =	ssyncadd.s32 $0xFFFFFC00  }
0xe7: {  	_ =	swait.ge [sflag:s4], $0x400  }
0xe8: {  	[sflag:s4] =	ssyncset.done $0x0  }
0xe9: {  	[sflag:s4] =	ssyncadd.s32 $0xFFFFFC00  }
0xea: {  	_ =	swait.ge [sflag:s4], $0x400  }
0xeb: {  	[sflag:s4] =	ssyncset.done $0x0  }
0xec: {  	[sflag:s4] =	ssyncadd.s32 $0xFFFFFC00  }
0xed: {  	_ =	swait.ge [sflag:s4], $0x400  }
0xee: {  	[sflag:s4] =	ssyncset.done $0x0  }
0xef: {  	[sflag:s4] =	ssyncadd.s32 $0xFFFFFC00  }
0xf0: {  	_ =	swait.ge [sflag:s4], $0x400  }
0xf1: {  	[sflag:s4] =	ssyncset.done $0x0  }
0xf2: {  	[sflag:s4] =	ssyncadd.s32 $0xFFFFFC00  }
0xf3: {  	_ =	swait.ge [sflag:s4], $0x400  }
0xf4: {  	[sflag:s4] =	ssyncset.done $0x0  }
0xf5: {  	[sflag:s4] =	ssyncadd.s32 $0xFFFFFC00  }
0xf6: {  	_ =	swait.ge [sflag:s4], $0x400  }
0xf7: {  	[sflag:s4] =	ssyncset.done $0x0  }
0xf8: {  	[sflag:s4] =	ssyncadd.s32 $0xFFFFFC00  }
0xf9: {  	_ =	swait.ge [sflag:s4], $0x400  }
0xfa: {  	[sflag:s4] =	ssyncset.done $0x0  }
0xfb: {  	[sflag:s4] =	ssyncadd.s32 $0xFFFFFC00  }
0xfc: {  	_ =	swait.ge [sflag:s4], $0x400  }
0xfd: {  	[sflag:s4] =	ssyncset.done $0x0  }
0xfe: {  	[sflag:s4] =	ssyncadd.s32 $0xFFFFFC00  }
0xff: {  	_ =	swait.ge [sflag:s4], $0x400  }
0x100: {  	[sflag:s4] =	ssyncset.done $0x0  }
0x101: {  	[sflag:s4] =	ssyncadd.s32 $0xFFFFFC00  }
0x102: {  	_ =	swait.ge [sflag:s4], $0x400  }
0x103: {  	[sflag:s4] =	ssyncset.done $0x0  }
0x104: {  	[sflag:s4] =	ssyncadd.s32 $0xFFFFFC00  }
0x105: {  	_ =	swait.ge [sflag:s4], $0x400  }
0x106: {  	[sflag:s4] =	ssyncset.done $0x0  }
0x107: {  	[sflag:s4] =	ssyncadd.s32 $0xFFFFFC00  }
0x108: {  	_ =	swait.ge [sflag:s4], $0x400  }
0x109: {  	[sflag:s4] =	ssyncset.done $0x0  }
0x10a: {  	[sflag:s4] =	ssyncadd.s32 $0xFFFFFC00  }
0x10b: {  	v60 =	vimm.s32 $0x3F80;
	vm0 =	vcmask $0x300;
	_ =	swait.ge [sflag:s4], $0x400  }
0x10c: {  	vm1 =	vcmask $0x704;
	v2 =	vsel vm0, $0x0, v60;
	[sflag:s4] =	ssyncset.done $0x0  }
0x10d: {  	vm2 =	vcmask $0xB08;
	v3 =	vimm.s32 $0x7F80;
	v2 =	vsel vm1, $0x480, v2;
	[sflag:s4] =	ssyncadd.s32 $0xFFFFFC00  }
0x10e: {  	vm3 =	vcmask $0xF0C;
	v3 =	vsel vm0, $0x4000, v3;
	v2 =	vsel vm2, $0x900, v2;
	_ =	swait.ge [sflag:s4], $0x400  }
0x10f: {  	vm15 =	vcmask $0x1310;
	v3 =	vsel vm1, $0x4480, v3;
	v2 =	vsel vm3, $0xD80, v2;
	[sflag:s4] =	ssyncset.done $0x0  }
0x110: {  	vm6 =	vcmask $0x1714;
	v3 =	vsel vm2, $0x4900, v3;
	v2 =	vsel vm15, $0x1200, v2;
	[sflag:s4] =	ssyncadd.s32 $0xFFFFFC00  }
0x111: {  	vm7 =	vcmask $0x1B18;
	v3 =	vsel vm3, $0x4D80, v3;
	v2 =	vsel vm6, $0x1680, v2;
	_ =	swait.ge [sflag:s4], $0x400  }
0x112: {  	vm8 =	vcmask $0x1F1C;
	v3 =	vsel vm15, $0x5200, v3;
	v2 =	vsel vm7, $0x1B00, v2;
	[sflag:s4] =	ssyncset.done $0x0  }
0x113: {  	vm9 =	vcmask $0x2320;
	v3 =	vsel vm6, $0x5680, v3;
	v2 =	vsel vm8, $0x1F80, v2;
	[sflag:s4] =	ssyncadd.s32 $0xFFFFFC00  }
0x114: {  	vm10 =	vcmask $0x2724;
	v3 =	vsel vm7, $0x5B00, v3;
	v2 =	vsel vm9, $0x2000, v2;
	_ =	swait.ge [sflag:s4], $0x400  }
0x115: {  	vm11 =	vcmask $0x2B28;
	v3 =	vsel vm8, $0x5F80, v3;
	v2 =	vsel vm10, $0x2480, v2;
	[sflag:s4] =	ssyncset.done $0x0  }
0x116: {  	vm12 =	vcmask $0x2F2C;
	v3 =	vsel vm9, $0x6000, v3;
	v2 =	vsel vm11, $0x2900, v2;
	[sflag:s4] =	ssyncadd.s32 $0xFFFFFC00  }
0x117: {  	vm13 =	vcmask $0x3330;
	v3 =	vsel vm10, $0x6480, v3;
	v2 =	vsel vm12, $0x2D80, v2;
	_ =	swait.ge [sflag:s4], $0x400  }
0x118: {  	vm14 =	vcmask $0x3734;
	v3 =	vsel vm11, $0x6900, v3;
	v2 =	vsel vm13, $0x3200, v2;
	[sflag:s4] =	ssyncset.done $0x0  }
0x119: {  	v3 =	vsel vm12, $0x6D80, v3;
	vm15 =	vcmask $0x3B38;
	v2 =	vsel vm14, $0x3680, v2;
	[sflag:s4] =	ssyncadd.s32 $0xFFFFFC00  }
0x11a: {  	v3 =	vsel vm13, $0x7200, v3;
	v0 =	vand.u32 $0x7F, v0;
	v2 =	vsel vm15, $0x3B00, v2;
	_ =	swait.ge [sflag:s4], $0x400  }
0x11b: {  	v61 =	vsel vm14, $0x7680, v3;
	v0 =	vor.u32 v2, v0;
	[sflag:s4] =	ssyncset.done $0x0  }
0x11c: {  	v1 =	vand.u32 $0x7F, v1;
	v2 =	vsel vm15, $0x7B00, v61;
	[sflag:s4] =	ssyncadd.s32 $0xFFFFFC00  }
0x11d: {  	v1 =	vor.u32 v2, v1;
	_ =	swait.ge [sflag:s4], $0x400  }
0x11e: {  	[sflag:s4] =	ssyncset.done $0x0  }
0x11f: {  	[sflag:s4] =	ssyncadd.s32 $0xFFFFFC00  }
0x120: {  	v0 =	vld.idx.msk [tilespmem:v0+s5+$0x0], $0xffff  }
0x121: {  	v62 =	vld [tilespmem:$0x80]  }
0x122: {  	v1 =	vld.idx.msk [tilespmem:v1+s5+$0x0], $0xffff  }
0x123: {  	v63 =	vld [tilespmem:$0x90];
	_ =	sdelay $0x2  }
0x124: {  	v0 =	vmul.f32 v62, v0;
	_ =	sdelay $0x1  }
0x125: {  	v1 =	vmul.f32 v63, v1;
	v0 =	vsub.f32 $0.0e+00, v0;
	_ =	sdelay $0x1  }
0x126: {  	s29 =	sshll.u32 s3, $0x7;
	v0 =	vsub.f32 v0, v1  }
0x127: {  	s4 =	sadd.s32 s29, s2  }
0x128: {  	s30 =	simm.s32 $0x8100;
	s31 =	simm.s32 $0x2;
	s4 =	sadd.s32 $0x2000, s4;
	[tilespmem:$0x8100] =	vst v0  }
0x129: {  	[spmem:s4] =	stream.linear.scatter [tilespmem:s30], [sflag:$0x2], $0x80, $0x38;
	[tilespmem:$0x8A50] =	vst v63  }
0x12a: {  	_ =	swait.ge [sflag:s31], $0x80  }
0x12b: {  	[sflag:s31] =	ssyncset.done $0x0  }
0x12c: {  	[sflag:s31] =	ssyncadd.s32 $0xFFFFFF80  }
0x12d: {  	p0 =	sne.s32 s3, $0x0;
	[bflag:$0x0] =	sbarrier.arrive $0xFFFF  }
0x12e: {  	_ =	sfence.sel @p0 $0x180000  }
0x12f: {  	[bflag:$0x0] =	sbarrier.arrive @p0 $0xFFFF  }
0x130: {  	_ =	strace @p0 $0x90000047  }
0x131: {  	s3 =	simm.s32 @!p0 $0x8180;
	s2 =	sadd.s32 @!p0 $0x2000, s2;
	[bflag:$0x2] =	sbarrier.arrive @p0 $0xFFFF  }
0x132: {  	[tilespmem:s3], [sflag:$0x2] =	stream.linear.gather @!p0 [spmem:s2], $0x800, $0x38;
	[tilespmem:$0x8A50] =	vst v63  }
0x133: {  	s2 =	simm.s32 @!p0 $0x2  }
0x134: {  	_ =	swait.ge @!p0 [sflag:s2], $0x800  }
0x135: {  	[sflag:s2] =	ssyncset.done @!p0 $0x0  }
0x136: {  	[sflag:s2] =	ssyncadd.s32 @!p0 $0xFFFFF800  }
0x137: {  	v0 =	vld @!p0 [tilespmem:$0x8180];
	_ =	sdelay $0x1  }
0x138: {  	v1 =	vld @!p0 [tilespmem:$0x8200];
	_ =	sdelay $0x1  }
0x139: {  	v2 =	vld @!p0 [tilespmem:$0x8280]  }
0x13a: {  	v0 =	vadd.f32 @!p0 $0.0e+00, v0  }
0x13b: {  	v3 =	vld @!p0 [tilespmem:$0x8300]  }
0x13c: {  	v0 =	vadd.f32 @!p0 v1, v0  }
0x13d: {  	v1 =	vld @!p0 [tilespmem:$0x8380]  }
0x13e: {  	v0 =	vadd.f32 @!p0 v2, v0  }
0x13f: {  	v2 =	vld @!p0 [tilespmem:$0x8400]  }
0x140: {  	v0 =	vadd.f32 @!p0 v3, v0  }
0x141: {  	v3 =	vld @!p0 [tilespmem:$0x8480]  }
0x142: {  	v0 =	vadd.f32 @!p0 v1, v0  }
0x143: {  	v1 =	vld @!p0 [tilespmem:$0x8500]  }
0x144: {  	v0 =	vadd.f32 @!p0 v2, v0  }
0x145: {  	v2 =	vld @!p0 [tilespmem:$0x8580]  }
0x146: {  	v0 =	vadd.f32 @!p0 v3, v0  }
0x147: {  	v3 =	vld @!p0 [tilespmem:$0x8600]  }
0x148: {  	v0 =	vadd.f32 @!p0 v1, v0  }
0x149: {  	v1 =	vld @!p0 [tilespmem:$0x8680]  }
0x14a: {  	v0 =	vadd.f32 @!p0 v2, v0  }
0x14b: {  	v2 =	vld @!p0 [tilespmem:$0x8700]  }
0x14c: {  	v0 =	vadd.f32 @!p0 v3, v0  }
0x14d: {  	v3 =	vld @!p0 [tilespmem:$0x8780]  }
0x14e: {  	v0 =	vadd.f32 @!p0 v1, v0  }
0x14f: {  	v1 =	vld @!p0 [tilespmem:$0x8800]  }
0x150: {  	v0 =	vadd.f32 @!p0 v2, v0  }
0x151: {  	v2 =	vld @!p0 [tilespmem:$0x8880]  }
0x152: {  	v0 =	vadd.f32 @!p0 v3, v0  }
0x153: {  	v3 =	vld @!p0 [tilespmem:$0x8900]  }
0x154: {  	v0 =	vadd.f32 @!p0 v1, v0;
	_ =	sdelay $0x1  }
0x155: {  	v0 =	vadd.f32 @!p0 v2, v0;
	_ =	sdelay $0x1  }
0x156: {  	v0 =	vadd.f32 @!p0 v3, v0;
	_ =	sdelay $0x1  }
0x157: {  	(xrf2) =	vadd.scan.msk.f32 @!p0 $0xffff, v0;
	_ =	sdelay $0x9  }
0x158: {  	v0, _, _ =	vpop @!p0 (xrf2)  }
0x159: {  	v0 =	vbroadcast @!p0 v0, $0xF;
	_ =	sdelay $0x1  }
0x15a: {  	s4 =	simm.s32 @!p0 $0x8980;
	s3 =	simm.s32 @!p0 $0x0;
	[tilespmem:$0x8980] =	vst @!p0 v0  }
0x15b: {  	[hbm4b:s1+s3] =	stream.linear.scatter @!p0 [tilespmem:s4], [sflag:$0x2], $0x80, $0x38;
	[tilespmem:$0x8A50] =	vst v63  }
0x15c: {  	_ =	swait.ge @!p0 [sflag:s2], $0x80  }
0x15d: {  	[sflag:s2] =	ssyncset.done @!p0 $0x0  }
0x15e: {  	[sflag:s2] =	ssyncadd.s32 @!p0 $0xFFFFFF80  }
0x15f: {  	_ =	sfence.sel @!p0 $0x180000  }
0x160: {  	[bflag:$0x0] =	sbarrier.arrive @!p0 $0xFFFF  }
0x161: {  	_ =	strace @!p0 $0x90000047  }
0x162: {  	s0 =	sadd.s32 @!p0 $0x100000, s0;
	[bflag:$0x2] =	sbarrier.arrive @!p0 $0xFFFF  }
0x163: {  	[sflag:s0] =	ssyncadd.tile.s32 @!p0 $0x1;
	_ =	shalt  }
.Lfunc_end2:
_tile_overlayer_lowered:
.L_overlay_start_2:
0x164: {  	(tag) =	ssettag $0x2  }
0x165: {  	s0 =	rddreg [dreg:$0x0];
	s2 =	stileid.u32  }
0x166: {  	s1 =	rddreg [dreg:$0x1];
	p0 =	sne.s32 s2, $0x0  }
0x167: {  	s3 =	rddreg [dreg:$0x2];
	[bflag:$0x3] =	sbarrier.arrive $0xFFFF;
	s2 =	simm.s32 @!p0 $0x1C02  }
0x168: {  	[timem:s3], [sflag:s2] =	dma.local @!p0 [hbm:s0], s1  }
0x169: {  	s0 =	simm.s32 @!p0 $0x2  }
0x16a: {  	_ =	swait.ge @!p0 [sflag:s0], s1  }
0x16b: {  	s1 =	ssub.s32 @!p0 $0x0, s1;
	[sflag:s0] =	ssyncset.done @!p0 $0x0  }
0x16c: {  	[sflag:s0] =	ssyncadd.s32 @!p0 s1  }
0x16d: {  	[bflag:$0x3] =	sbarrier.arrive $0xFFFF  }
0x16e: {  	_ =	shalt  }

</sc_bundles>
